<compile_context>
chip_gen: v7x
topology: tpu7x:2x2x1
jax: 0.10.2.dev20260603
libtpu: 0.0.44.dev20260713+nightly
codegen_flags: <defaults>
</compile_context>

<pallas_src>
import functools

import jax
import jax.numpy as jnp
from jax import lax
from jax.experimental import pallas as pl
from jax.experimental.pallas import tpu as pltpu
from jax.experimental.pallas import tpu_sc as plsc

LANES = 128
BR = 256
NW = 32


def _cumsum_body(v_ref, w_ref, out_ref, carry_ref):
    b = pl.program_id(0)

    @pl.when(b == 0)
    def _init():
        for c in range(3):
            carry_ref[c] = 0.0

    ii = lax.broadcasted_iota(jnp.int32, (LANES, LANES), 0)
    jj = lax.broadcasted_iota(jnp.int32, (LANES, LANES), 1)
    upper_incl = (ii <= jj).astype(jnp.float32)
    aa = lax.broadcasted_iota(jnp.int32, (BR, BR), 0)
    bb = lax.broadcasted_iota(jnp.int32, (BR, BR), 1)
    strict_lower = (bb < aa).astype(jnp.float32)

    x_all = (v_ref[...] * w_ref[...]).reshape(3 * BR, LANES)
    xh = x_all.astype(jnp.bfloat16).astype(jnp.float32)
    xl = x_all - xh
    incl = (jnp.dot(xh, upper_incl, preferred_element_type=jnp.float32)
            + jnp.dot(xl, upper_incl, preferred_element_type=jnp.float32))
    s_all = incl[:, LANES - 1:LANES]
    s3 = jnp.concatenate(
        [s_all[c * BR:(c + 1) * BR] for c in range(3)], axis=1)
    rc3 = jnp.dot(strict_lower, s3, preferred_element_type=jnp.float32,
                  precision=lax.Precision.HIGHEST)
    for c in range(3):
        out_ref[c] = incl[c * BR:(c + 1) * BR] + rc3[:, c:c + 1] + carry_ref[c]
        carry_ref[c] = carry_ref[c] + jnp.sum(s3[:, c:c + 1])


def _stage_a(v3, w2):
    rows = v3.shape[1]
    nblocks = rows // BR
    return pl.pallas_call(
        _cumsum_body,
        grid=(nblocks,),
        in_specs=[
            pl.BlockSpec((3, BR, LANES), lambda b: (0, b, 0)),
            pl.BlockSpec((BR, LANES), lambda b: (b, 0)),
        ],
        out_specs=pl.BlockSpec((3, BR, LANES), lambda b: (0, b, 0)),
        out_shape=jax.ShapeDtypeStruct((3, rows, LANES), jnp.float32),
        scratch_shapes=[pltpu.SMEM((3,), jnp.float32)],
    )(v3, w2)


def _make_stage_b(n_rays, total, chunk):
    rpw = n_rays // NW
    mesh = plsc.VectorSubcoreMesh(core_axis_name="c", subcore_axis_name="s")

    @functools.partial(
        pl.kernel,
        mesh=mesh,
        out_type=[jax.ShapeDtypeStruct((n_rays,), jnp.float32)] * 3,
        scratch_types=[
            pltpu.VMEM((chunk,), jnp.int32),
            pltpu.VMEM((3 * chunk,), jnp.int32),
            pltpu.VMEM((chunk,), jnp.float32),
            pltpu.VMEM((3 * chunk,), jnp.float32),
            pltpu.VMEM((rpw,), jnp.float32),
            pltpu.SemaphoreType.DMA,
        ],
    )
    def stage_b(ch, cuh, o0h, o1h, o2h, cu_v, idx_v, m_v, g_v, o_v, sem):
        wid = lax.axis_index("s") * 2 + lax.axis_index("c")
        base = wid * rpw
        pltpu.sync_copy(cuh.at[pl.ds(base, chunk)], cu_v)
        for q in range(0, chunk, 16):
            cu16 = cu_v[pl.ds(q, 16)]
            flat = jnp.maximum(cu16 - 1, 0)
            for c in range(3):
                idx_v[pl.ds(c * chunk + q, 16)] = flat + c * total
            m_v[pl.ds(q, 16)] = jnp.where(cu16 > 0, 1.0, 0.0)
        pltpu.async_copy(ch.at[idx_v], g_v, sem).wait()
        for c, oh in enumerate((o0h, o1h, o2h)):
            for q in range(0, rpw, 16):
                m_lo = m_v[pl.ds(q, 16)]
                m_hi = m_v[pl.ds(q + 1, 16)]
                glo = g_v[pl.ds(c * chunk + q, 16)] * m_lo
                ghi = g_v[pl.ds(c * chunk + q + 1, 16)] * m_hi
                o_v[pl.ds(q, 16)] = ghi - glo
            pltpu.sync_copy(o_v, oh.at[pl.ds(base, rpw)])

    return stage_b


def kernel(value_samples, weights_samples, cu_seqlens):
    total = value_samples.shape[0]
    n_rays = cu_seqlens.shape[0] - 1
    rows = total // LANES

    v3 = value_samples.T.reshape(3, rows, LANES)
    w2 = weights_samples.reshape(rows, LANES)
    c3 = _stage_a(v3, w2)

    rpw = n_rays // NW
    chunk = rpw + 16
    pad = NW * rpw + chunk - (n_rays + 1)
    cu_pad = jnp.concatenate(
        [cu_seqlens.astype(jnp.int32),
         jnp.full((pad,), total, dtype=jnp.int32)])

    stage_b = _make_stage_b(n_rays, total, chunk)
    o0, o1, o2 = stage_b(c3.reshape(3 * total), cu_pad)
    return jnp.stack([o0, o1, o2], axis=1)

# --- scband reference (transcript-rebuilt; emitter-appended) ---
"""Pipeline reference for scband-integrate-with-weights3-dmodule-89790586290717 (READ-ONLY COPY).

The authoritative reference and input builder live on the scoring server;
editing this copy changes nothing except your own understanding.
"""

import jax, jax.numpy as jnp
import numpy as np

N_RAYS = 8192
TOTAL = 262144


def setup_inputs(seed: int = 0) -> dict:
    key = jax.random.key(seed)
    k1, k2, k3 = jax.random.split(key, 3)
    value_samples = jax.random.normal(k1, (TOTAL, 3), dtype=jnp.float32)
    weights_samples = jax.random.uniform(k2, (TOTAL, 1), dtype=jnp.float32)
    inner = jnp.sort(jax.random.randint(k3, (N_RAYS - 1,), 0, TOTAL))
    cu_seqlens = jnp.concatenate([
        jnp.array([0], dtype=jnp.int32),
        inner.astype(jnp.int32),
        jnp.array([TOTAL], dtype=jnp.int32),
    ])
    return {
        "value_samples": value_samples,
        "weights_samples": weights_samples,
        "cu_seqlens": cu_seqlens,
    }


def reference(value_samples, weights_samples, cu_seqlens):
    # Faithful translation of IntegrateWithWeights3DFunc (volume-rendering style
    # weighted integration over ragged packed ray samples):
    #   out[r, :] = sum_{i in ray r} weights_samples[i, 0] * value_samples[i, :]
    # Ray r owns samples i with cu_seqlens[r] <= i < cu_seqlens[r+1].
    total = value_samples.shape[0]
    n_rays = cu_seqlens.shape[0] - 1
    # segment id for each packed sample
    seg = jnp.searchsorted(cu_seqlens[1:], jnp.arange(total), side="right")
    weighted = value_samples * weights_samples  # broadcast [total,1] over [total,3]
    out = jax.ops.segment_sum(weighted, seg, num_segments=n_rays)
    return out

if __name__ == "__main__":
    import jax
    _d = setup_inputs()
    print(jax.jit(kernel)(*tuple(_d.values())))

</pallas_src>

<mosaic_0001>
#map = affine_map<(d0, d1) -> (0)>
module attributes {stable_mosaic.version = 14 : i64} {
  func.func @stage_b(%arg0: i32, %arg1: i32, %arg2: memref<786432xf32, #tpu.memory_space<hbm>>, %arg3: memref<8464xi32, #tpu.memory_space<hbm>>, %arg4: memref<8192xf32, #tpu.memory_space<hbm>>, %arg5: memref<8192xf32, #tpu.memory_space<hbm>>, %arg6: memref<8192xf32, #tpu.memory_space<hbm>>, %arg7: memref<272xi32, #tpu.memory_space<vmem>>, %arg8: memref<816xi32, #tpu.memory_space<vmem>>, %arg9: memref<272xf32, #tpu.memory_space<vmem>>, %arg10: memref<816xf32, #tpu.memory_space<vmem>>, %arg11: memref<256xf32, #tpu.memory_space<vmem>>, %arg12: memref<!tpu.dma_semaphore, #tpu.memory_space<semaphore_mem>>) attributes {dimension_semantics = [#tpu.dimension_semantics<core_parallel>, #tpu.dimension_semantics<subcore_parallel>], iteration_bounds = array<i64: 2, 16>, scalar_prefetch = 0 : i64, scratch_operands = 6 : i64, tpu.core_type = #tpu.core_type<sc_vector_subcore>, window_params = [{transform_indices = #map}, {transform_indices = #map}, {transform_indices = #map}, {transform_indices = #map}, {transform_indices = #map}]} {
    %mul3A = arith.constant 2 : i32
    %mul3A_0 = arith.muli %arg1, %mul3A : i32
    %add3A = arith.addi %mul3A_0, %arg0 : i32
    %mul3A_1 = arith.constant 256 : i32
    %mul3A_2 = arith.muli %add3A, %mul3A_1 : i32
    "tpu.region"() ({
      %run_scoped3A = tpu.sem_alloc : memref<!tpu.dma_semaphore, #tpu.memory_space<semaphore_mem>>
      %dma_start3A_1623 = tpu.memref_slice %arg3[%mul3A_2] : memref<8464xi32, #tpu.memory_space<hbm>> -> memref<272xi32, #tpu.memory_space<hbm>>
      %dma_start3A_1624 = tpu.memref_slice %arg3[%mul3A_2] : memref<8464xi32, #tpu.memory_space<hbm>> -> memref<272xi32, #tpu.memory_space<hbm>>
      tpu.enqueue_dma source(%dma_start3A_1624 : memref<272xi32, #tpu.memory_space<hbm>>) target(%arg7 : memref<272xi32, #tpu.memory_space<vmem>>) target_semaphore(%run_scoped3A : memref<!tpu.dma_semaphore, #tpu.memory_space<semaphore_mem>>)
      %dma_wait3A_1625 = tpu.memref_slice %arg3[%mul3A_2] : memref<8464xi32, #tpu.memory_space<hbm>> -> memref<272xi32, #tpu.memory_space<hbm>>
      %dma_wait3A_1626 = tpu.memref_slice %arg3[%mul3A_2] : memref<8464xi32, #tpu.memory_space<hbm>> -> memref<272xi32, #tpu.memory_space<hbm>>
      tpu.wait_dma2 semaphore(%run_scoped3A : memref<!tpu.dma_semaphore, #tpu.memory_space<semaphore_mem>>) src(%dma_wait3A_1626 : memref<272xi32, #tpu.memory_space<hbm>>) dst(%arg7 : memref<272xi32, #tpu.memory_space<vmem>>)
      tpu.yield
    }) : () -> ()
    %get3A = arith.constant 0 : index
    %get3A_3 = tpu.vector_load %arg7[%get3A] {strides = array<i32>} : memref<272xi32, #tpu.memory_space<vmem>>, vector<16xi32>,
    %get3A_4 = vector.shape_cast %get3A_3 : vector<16xi32> to vector<16xi32>
    %sub3A = arith.constant 1 : i32
    %sub3A_5 = vector.broadcast %sub3A : i32 to vector<16xi32>
    %sub3A_6 = arith.subi %get3A_4, %sub3A_5 : vector<16xi32>
    %max3A = arith.constant 0 : i32
    %max3A_7 = vector.broadcast %max3A : i32 to vector<16xi32>
    %max3A_8 = arith.maxsi %sub3A_6, %max3A_7 : vector<16xi32>
    %add3A_9 = arith.constant 0 : i32
    %add3A_10 = vector.broadcast %add3A_9 : i32 to vector<16xi32>
    %add3A_11 = arith.addi %max3A_8, %add3A_10 : vector<16xi32>
    %swap3A = arith.constant 0 : index
    %swap3A_12 = tpu.vector_load %arg8[%swap3A] {strides = array<i32>} : memref<816xi32, #tpu.memory_space<vmem>>, vector<16xi32>,
    %swap3A_13 = vector.shape_cast %swap3A_12 : vector<16xi32> to vector<16xi32>
    %swap3A_14 = vector.shape_cast %add3A_11 : vector<16xi32> to vector<16xi32>
    tpu.vector_store %arg8[%swap3A], %swap3A_14 {strides = array<i32>} : memref<816xi32, #tpu.memory_space<vmem>>, vector<16xi32>,
    %add3A_15 = arith.constant 262144 : i32
    %add3A_16 = vector.broadcast %add3A_15 : i32 to vector<16xi32>
    %add3A_17 = arith.addi %max3A_8, %add3A_16 : vector<16xi32>
    %swap3A_18 = arith.constant 272 : index
    %swap3A_19 = tpu.vector_load %arg8[%swap3A_18] {strides = array<i32>} : memref<816xi32, #tpu.memory_space<vmem>>, vector<16xi32>,
    %swap3A_20 = vector.shape_cast %swap3A_19 : vector<16xi32> to vector<16xi32>
    %swap3A_21 = vector.shape_cast %add3A_17 : vector<16xi32> to vector<16xi32>
    tpu.vector_store %arg8[%swap3A_18], %swap3A_21 {strides = array<i32>} : memref<816xi32, #tpu.memory_space<vmem>>, vector<16xi32>,
    %add3A_22 = arith.constant 524288 : i32
    %add3A_23 = vector.broadcast %add3A_22 : i32 to vector<16xi32>
    %add3A_24 = arith.addi %max3A_8, %add3A_23 : vector<16xi32>
    %swap3A_25 = arith.constant 544 : index
    %swap3A_26 = tpu.vector_load %arg8[%swap3A_25] {strides = array<i32>} : memref<816xi32, #tpu.memory_space<vmem>>, vector<16xi32>,
    %swap3A_27 = vector.shape_cast %swap3A_26 : vector<16xi32> to vector<16xi32>
    %swap3A_28 = vector.shape_cast %add3A_24 : vector<16xi32> to vector<16xi32>
    tpu.vector_store %arg8[%swap3A_25], %swap3A_28 {strides = array<i32>} : memref<816xi32, #tpu.memory_space<vmem>>, vector<16xi32>,
    %gt3A = arith.constant 0 : i32
    %gt3A_29 = vector.broadcast %gt3A : i32 to vector<16xi32>
    %gt3A_30 = arith.cmpi sgt, %get3A_4, %gt3A_29 : vector<16xi32>
    %jit3A = arith.constant 1.000000e+00 : f32
    %jit3A_31 = arith.constant 0.000000e+00 : f32
    %broadcast_in_dim3A = vector.broadcast %jit3A : f32 to vector<16xf32>
    %broadcast_in_dim3A_32 = vector.broadcast %jit3A_31 : f32 to vector<16xf32>
    %select_n3A = arith.select %gt3A_30, %broadcast_in_dim3A, %broadcast_in_dim3A_32 : vector<16xi1>, vector<16xf32>
    %swap3A_33 = arith.constant 0 : index
    %swap3A_34 = tpu.vector_load %arg9[%swap3A_33] {strides = array<i32>} : memref<272xf32, #tpu.memory_space<vmem>>, vector<16xf32>,
    %swap3A_35 = vector.shape_cast %swap3A_34 : vector<16xf32> to vector<16xf32>
    %swap3A_36 = vector.shape_cast %select_n3A : vector<16xf32> to vector<16xf32>
    tpu.vector_store %arg9[%swap3A_33], %swap3A_36 {strides = array<i32>} : memref<272xf32, #tpu.memory_space<vmem>>, vector<16xf32>,
    %get3A_37 = arith.constant 16 : index
    %get3A_38 = tpu.vector_load %arg7[%get3A_37] {strides = array<i32>} : memref<272xi32, #tpu.memory_space<vmem>>, vector<16xi32>,
    %get3A_39 = vector.shape_cast %get3A_38 : vector<16xi32> to vector<16xi32>
    %sub3A_40 = arith.constant 1 : i32
    %sub3A_41 = vector.broadcast %sub3A_40 : i32 to vector<16xi32>
    %sub3A_42 = arith.subi %get3A_39, %sub3A_41 : vector<16xi32>
    %max3A_43 = arith.constant 0 : i32
    %max3A_44 = vector.broadcast %max3A_43 : i32 to vector<16xi32>
    %max3A_45 = arith.maxsi %sub3A_42, %max3A_44 : vector<16xi32>
    %add3A_46 = arith.constant 0 : i32
    %add3A_47 = vector.broadcast %add3A_46 : i32 to vector<16xi32>
    %add3A_48 = arith.addi %max3A_45, %add3A_47 : vector<16xi32>
    %swap3A_49 = arith.constant 16 : index
    %swap3A_50 = tpu.vector_load %arg8[%swap3A_49] {strides = array<i32>} : memref<816xi32, #tpu.memory_space<vmem>>, vector<16xi32>,
    %swap3A_51 = vector.shape_cast %swap3A_50 : vector<16xi32> to vector<16xi32>
    %swap3A_52 = vector.shape_cast %add3A_48 : vector<16xi32> to vector<16xi32>
    tpu.vector_store %arg8[%swap3A_49], %swap3A_52 {strides = array<i32>} : memref<816xi32, #tpu.memory_space<vmem>>, vector<16xi32>,
    %add3A_53 = arith.constant 262144 : i32
    %add3A_54 = vector.broadcast %add3A_53 : i32 to vector<16xi32>
    %add3A_55 = arith.addi %max3A_45, %add3A_54 : vector<16xi32>
    %swap3A_56 = arith.constant 288 : index
    %swap3A_57 = tpu.vector_load %arg8[%swap3A_56] {strides = array<i32>} : memref<816xi32, #tpu.memory_space<vmem>>, vector<16xi32>,
    %swap3A_58 = vector.shape_cast %swap3A_57 : vector<16xi32> to vector<16xi32>
    %swap3A_59 = vector.shape_cast %add3A_55 : vector<16xi32> to vector<16xi32>
    tpu.vector_store %arg8[%swap3A_56], %swap3A_59 {strides = array<i32>} : memref<816xi32, #tpu.memory_space<vmem>>, vector<16xi32>,
    %add3A_60 = arith.constant 524288 : i32
    %add3A_61 = vector.broadcast %add3A_60 : i32 to vector<16xi32>
    %add3A_62 = arith.addi %max3A_45, %add3A_61 : vector<16xi32>
    %swap3A_63 = arith.constant 560 : index
    %swap3A_64 = tpu.vector_load %arg8[%swap3A_63] {strides = array<i32>} : memref<816xi32, #tpu.memory_space<vmem>>, vector<16xi32>,
    %swap3A_65 = vector.shape_cast %swap3A_64 : vector<16xi32> to vector<16xi32>
    %swap3A_66 = vector.shape_cast %add3A_62 : vector<16xi32> to vector<16xi32>
    tpu.vector_store %arg8[%swap3A_63], %swap3A_66 {strides = array<i32>} : memref<816xi32, #tpu.memory_space<vmem>>, vector<16xi32>,
    %gt3A_67 = arith.constant 0 : i32
    %gt3A_68 = vector.broadcast %gt3A_67 : i32 to vector<16xi32>
    %gt3A_69 = arith.cmpi sgt, %get3A_39, %gt3A_68 : vector<16xi32>
    %jit3A_70 = arith.constant 1.000000e+00 : f32
    %jit3A_71 = arith.constant 0.000000e+00 : f32
    %broadcast_in_dim3A_72 = vector.broadcast %jit3A_70 : f32 to vector<16xf32>
    %broadcast_in_dim3A_73 = vector.broadcast %jit3A_71 : f32 to vector<16xf32>
    %select_n3A_74 = arith.select %gt3A_69, %broadcast_in_dim3A_72, %broadcast_in_dim3A_73 : vector<16xi1>, vector<16xf32>
    %swap3A_75 = arith.constant 16 : index
    %swap3A_76 = tpu.vector_load %arg9[%swap3A_75] {strides = array<i32>} : memref<272xf32, #tpu.memory_space<vmem>>, vector<16xf32>,
    %swap3A_77 = vector.shape_cast %swap3A_76 : vector<16xf32> to vector<16xf32>
    %swap3A_78 = vector.shape_cast %select_n3A_74 : vector<16xf32> to vector<16xf32>
    tpu.vector_store %arg9[%swap3A_75], %swap3A_78 {strides = array<i32>} : memref<272xf32, #tpu.memory_space<vmem>>, vector<16xf32>,
    %get3A_79 = arith.constant 32 : index
    %get3A_80 = tpu.vector_load %arg7[%get3A_79] {strides = array<i32>} : memref<272xi32, #tpu.memory_space<vmem>>, vector<16xi32>,
    %get3A_81 = vector.shape_cast %get3A_80 : vector<16xi32> to vector<16xi32>
    %sub3A_82 = arith.constant 1 : i32
    %sub3A_83 = vector.broadcast %sub3A_82 : i32 to vector<16xi32>
    %sub3A_84 = arith.subi %get3A_81, %sub3A_83 : vector<16xi32>
    %max3A_85 = arith.constant 0 : i32
    %max3A_86 = vector.broadcast %max3A_85 : i32 to vector<16xi32>
    %max3A_87 = arith.maxsi %sub3A_84, %max3A_86 : vector<16xi32>
    %add3A_88 = arith.constant 0 : i32
    %add3A_89 = vector.broadcast %add3A_88 : i32 to vector<16xi32>
    %add3A_90 = arith.addi %max3A_87, %add3A_89 : vector<16xi32>
    %swap3A_91 = arith.constant 32 : index
    %swap3A_92 = tpu.vector_load %arg8[%swap3A_91] {strides = array<i32>} : memref<816xi32, #tpu.memory_space<vmem>>, vector<16xi32>,
    %swap3A_93 = vector.shape_cast %swap3A_92 : vector<16xi32> to vector<16xi32>
    %swap3A_94 = vector.shape_cast %add3A_90 : vector<16xi32> to vector<16xi32>
    tpu.vector_store %arg8[%swap3A_91], %swap3A_94 {strides = array<i32>} : memref<816xi32, #tpu.memory_space<vmem>>, vector<16xi32>,
    %add3A_95 = arith.constant 262144 : i32
    %add3A_96 = vector.broadcast %add3A_95 : i32 to vector<16xi32>
    %add3A_97 = arith.addi %max3A_87, %add3A_96 : vector<16xi32>
    %swap3A_98 = arith.constant 304 : index
    %swap3A_99 = tpu.vector_load %arg8[%swap3A_98] {strides = array<i32>} : memref<816xi32, #tpu.memory_space<vmem>>, vector<16xi32>,
    %swap3A_100 = vector.shape_cast %swap3A_99 : vector<16xi32> to vector<16xi32>
    %swap3A_101 = vector.shape_cast %add3A_97 : vector<16xi32> to vector<16xi32>
    tpu.vector_store %arg8[%swap3A_98], %swap3A_101 {strides = array<i32>} : memref<816xi32, #tpu.memory_space<vmem>>, vector<16xi32>,
    %add3A_102 = arith.constant 524288 : i32
    %add3A_103 = vector.broadcast %add3A_102 : i32 to vector<16xi32>
    %add3A_104 = arith.addi %max3A_87, %add3A_103 : vector<16xi32>
    %swap3A_105 = arith.constant 576 : index
    %swap3A_106 = tpu.vector_load %arg8[%swap3A_105] {strides = array<i32>} : memref<816xi32, #tpu.memory_space<vmem>>, vector<16xi32>,
    %swap3A_107 = vector.shape_cast %swap3A_106 : vector<16xi32> to vector<16xi32>
    %swap3A_108 = vector.shape_cast %add3A_104 : vector<16xi32> to vector<16xi32>
    tpu.vector_store %arg8[%swap3A_105], %swap3A_108 {strides = array<i32>} : memref<816xi32, #tpu.memory_space<vmem>>, vector<16xi32>,
    %gt3A_109 = arith.constant 0 : i32
    %gt3A_110 = vector.broadcast %gt3A_109 : i32 to vector<16xi32>
    %gt3A_111 = arith.cmpi sgt, %get3A_81, %gt3A_110 : vector<16xi32>
    %jit3A_112 = arith.constant 1.000000e+00 : f32
    %jit3A_113 = arith.constant 0.000000e+00 : f32
    %broadcast_in_dim3A_114 = vector.broadcast %jit3A_112 : f32 to vector<16xf32>
    %broadcast_in_dim3A_115 = vector.broadcast %jit3A_113 : f32 to vector<16xf32>
    %select_n3A_116 = arith.select %gt3A_111, %broadcast_in_dim3A_114, %broadcast_in_dim3A_115 : vector<16xi1>, vector<16xf32>
    %swap3A_117 = arith.constant 32 : index
    %swap3A_118 = tpu.vector_load %arg9[%swap3A_117] {strides = array<i32>} : memref<272xf32, #tpu.memory_space<vmem>>, vector<16xf32>,
    %swap3A_119 = vector.shape_cast %swap3A_118 : vector<16xf32> to vector<16xf32>
    %swap3A_120 = vector.shape_cast %select_n3A_116 : vector<16xf32> to vector<16xf32>
    tpu.vector_store %arg9[%swap3A_117], %swap3A_120 {strides = array<i32>} : memref<272xf32, #tpu.memory_space<vmem>>, vector<16xf32>,
    %get3A_121 = arith.constant 48 : index
    %get3A_122 = tpu.vector_load %arg7[%get3A_121] {strides = array<i32>} : memref<272xi32, #tpu.memory_space<vmem>>, vector<16xi32>,
    %get3A_123 = vector.shape_cast %get3A_122 : vector<16xi32> to vector<16xi32>
    %sub3A_124 = arith.constant 1 : i32
    %sub3A_125 = vector.broadcast %sub3A_124 : i32 to vector<16xi32>
    %sub3A_126 = arith.subi %get3A_123, %sub3A_125 : vector<16xi32>
    %max3A_127 = arith.constant 0 : i32
    %max3A_128 = vector.broadcast %max3A_127 : i32 to vector<16xi32>
    %max3A_129 = arith.maxsi %sub3A_126, %max3A_128 : vector<16xi32>
    %add3A_130 = arith.constant 0 : i32
    %add3A_131 = vector.broadcast %add3A_130 : i32 to vector<16xi32>
    %add3A_132 = arith.addi %max3A_129, %add3A_131 : vector<16xi32>
    %swap3A_133 = arith.constant 48 : index
    %swap3A_134 = tpu.vector_load %arg8[%swap3A_133] {strides = array<i32>} : memref<816xi32, #tpu.memory_space<vmem>>, vector<16xi32>,
    %swap3A_135 = vector.shape_cast %swap3A_134 : vector<16xi32> to vector<16xi32>
    %swap3A_136 = vector.shape_cast %add3A_132 : vector<16xi32> to vector<16xi32>
    tpu.vector_store %arg8[%swap3A_133], %swap3A_136 {strides = array<i32>} : memref<816xi32, #tpu.memory_space<vmem>>, vector<16xi32>,
    %add3A_137 = arith.constant 262144 : i32
    %add3A_138 = vector.broadcast %add3A_137 : i32 to vector<16xi32>
    %add3A_139 = arith.addi %max3A_129, %add3A_138 : vector<16xi32>
    %swap3A_140 = arith.constant 320 : index
    %swap3A_141 = tpu.vector_load %arg8[%swap3A_140] {strides = array<i32>} : memref<816xi32, #tpu.memory_space<vmem>>, vector<16xi32>,
    %swap3A_142 = vector.shape_cast %swap3A_141 : vector<16xi32> to vector<16xi32>
    %swap3A_143 = vector.shape_cast %add3A_139 : vector<16xi32> to vector<16xi32>
    tpu.vector_store %arg8[%swap3A_140], %swap3A_143 {strides = array<i32>} : memref<816xi32, #tpu.memory_space<vmem>>, vector<16xi32>,
    %add3A_144 = arith.constant 524288 : i32
    %add3A_145 = vector.broadcast %add3A_144 : i32 to vector<16xi32>
    %add3A_146 = arith.addi %max3A_129, %add3A_145 : vector<16xi32>
    %swap3A_147 = arith.constant 592 : index
    %swap3A_148 = tpu.vector_load %arg8[%swap3A_147] {strides = array<i32>} : memref<816xi32, #tpu.memory_space<vmem>>, vector<16xi32>,
    %swap3A_149 = vector.shape_cast %swap3A_148 : vector<16xi32> to vector<16xi32>
    %swap3A_150 = vector.shape_cast %add3A_146 : vector<16xi32> to vector<16xi32>
    tpu.vector_store %arg8[%swap3A_147], %swap3A_150 {strides = array<i32>} : memref<816xi32, #tpu.memory_space<vmem>>, vector<16xi32>,
    %gt3A_151 = arith.constant 0 : i32
    %gt3A_152 = vector.broadcast %gt3A_151 : i32 to vector<16xi32>
    %gt3A_153 = arith.cmpi sgt, %get3A_123, %gt3A_152 : vector<16xi32>
    %jit3A_154 = arith.constant 1.000000e+00 : f32
    %jit3A_155 = arith.constant 0.000000e+00 : f32
    %broadcast_in_dim3A_156 = vector.broadcast %jit3A_154 : f32 to vector<16xf32>
    %broadcast_in_dim3A_157 = vector.broadcast %jit3A_155 : f32 to vector<16xf32>
    %select_n3A_158 = arith.select %gt3A_153, %broadcast_in_dim3A_156, %broadcast_in_dim3A_157 : vector<16xi1>, vector<16xf32>
    %swap3A_159 = arith.constant 48 : index
    %swap3A_160 = tpu.vector_load %arg9[%swap3A_159] {strides = array<i32>} : memref<272xf32, #tpu.memory_space<vmem>>, vector<16xf32>,
    %swap3A_161 = vector.shape_cast %swap3A_160 : vector<16xf32> to vector<16xf32>
    %swap3A_162 = vector.shape_cast %select_n3A_158 : vector<16xf32> to vector<16xf32>
    tpu.vector_store %arg9[%swap3A_159], %swap3A_162 {strides = array<i32>} : memref<272xf32, #tpu.memory_space<vmem>>, vector<16xf32>,
    %get3A_163 = arith.constant 64 : index
    %get3A_164 = tpu.vector_load %arg7[%get3A_163] {strides = array<i32>} : memref<272xi32, #tpu.memory_space<vmem>>, vector<16xi32>,
    %get3A_165 = vector.shape_cast %get3A_164 : vector<16xi32> to vector<16xi32>
    %sub3A_166 = arith.constant 1 : i32
    %sub3A_167 = vector.broadcast %sub3A_166 : i32 to vector<16xi32>
    %sub3A_168 = arith.subi %get3A_165, %sub3A_167 : vector<16xi32>
    %max3A_169 = arith.constant 0 : i32
    %max3A_170 = vector.broadcast %max3A_169 : i32 to vector<16xi32>
    %max3A_171 = arith.maxsi %sub3A_168, %max3A_170 : vector<16xi32>
    %add3A_172 = arith.constant 0 : i32
    %add3A_173 = vector.broadcast %add3A_172 : i32 to vector<16xi32>
    %add3A_174 = arith.addi %max3A_171, %add3A_173 : vector<16xi32>
    %swap3A_175 = arith.constant 64 : index
    %swap3A_176 = tpu.vector_load %arg8[%swap3A_175] {strides = array<i32>} : memref<816xi32, #tpu.memory_space<vmem>>, vector<16xi32>,
    %swap3A_177 = vector.shape_cast %swap3A_176 : vector<16xi32> to vector<16xi32>
    %swap3A_178 = vector.shape_cast %add3A_174 : vector<16xi32> to vector<16xi32>
    tpu.vector_store %arg8[%swap3A_175], %swap3A_178 {strides = array<i32>} : memref<816xi32, #tpu.memory_space<vmem>>, vector<16xi32>,
    %add3A_179 = arith.constant 262144 : i32
    %add3A_180 = vector.broadcast %add3A_179 : i32 to vector<16xi32>
    %add3A_181 = arith.addi %max3A_171, %add3A_180 : vector<16xi32>
    %swap3A_182 = arith.constant 336 : index
    %swap3A_183 = tpu.vector_load %arg8[%swap3A_182] {strides = array<i32>} : memref<816xi32, #tpu.memory_space<vmem>>, vector<16xi32>,
    %swap3A_184 = vector.shape_cast %swap3A_183 : vector<16xi32> to vector<16xi32>
    %swap3A_185 = vector.shape_cast %add3A_181 : vector<16xi32> to vector<16xi32>
    tpu.vector_store %arg8[%swap3A_182], %swap3A_185 {strides = array<i32>} : memref<816xi32, #tpu.memory_space<vmem>>, vector<16xi32>,
    %add3A_186 = arith.constant 524288 : i32
    %add3A_187 = vector.broadcast %add3A_186 : i32 to vector<16xi32>
    %add3A_188 = arith.addi %max3A_171, %add3A_187 : vector<16xi32>
    %swap3A_189 = arith.constant 608 : index
    %swap3A_190 = tpu.vector_load %arg8[%swap3A_189] {strides = array<i32>} : memref<816xi32, #tpu.memory_space<vmem>>, vector<16xi32>,
    %swap3A_191 = vector.shape_cast %swap3A_190 : vector<16xi32> to vector<16xi32>
    %swap3A_192 = vector.shape_cast %add3A_188 : vector<16xi32> to vector<16xi32>
    tpu.vector_store %arg8[%swap3A_189], %swap3A_192 {strides = array<i32>} : memref<816xi32, #tpu.memory_space<vmem>>, vector<16xi32>,
    %gt3A_193 = arith.constant 0 : i32
    %gt3A_194 = vector.broadcast %gt3A_193 : i32 to vector<16xi32>
    %gt3A_195 = arith.cmpi sgt, %get3A_165, %gt3A_194 : vector<16xi32>
    %jit3A_196 = arith.constant 1.000000e+00 : f32
    %jit3A_197 = arith.constant 0.000000e+00 : f32
    %broadcast_in_dim3A_198 = vector.broadcast %jit3A_196 : f32 to vector<16xf32>
    %broadcast_in_dim3A_199 = vector.broadcast %jit3A_197 : f32 to vector<16xf32>
    %select_n3A_200 = arith.select %gt3A_195, %broadcast_in_dim3A_198, %broadcast_in_dim3A_199 : vector<16xi1>, vector<16xf32>
    %swap3A_201 = arith.constant 64 : index
    %swap3A_202 = tpu.vector_load %arg9[%swap3A_201] {strides = array<i32>} : memref<272xf32, #tpu.memory_space<vmem>>, vector<16xf32>,
    %swap3A_203 = vector.shape_cast %swap3A_202 : vector<16xf32> to vector<16xf32>
    %swap3A_204 = vector.shape_cast %select_n3A_200 : vector<16xf32> to vector<16xf32>
    tpu.vector_store %arg9[%swap3A_201], %swap3A_204 {strides = array<i32>} : memref<272xf32, #tpu.memory_space<vmem>>, vector<16xf32>,
    %get3A_205 = arith.constant 80 : index
    %get3A_206 = tpu.vector_load %arg7[%get3A_205] {strides = array<i32>} : memref<272xi32, #tpu.memory_space<vmem>>, vector<16xi32>,
    %get3A_207 = vector.shape_cast %get3A_206 : vector<16xi32> to vector<16xi32>
    %sub3A_208 = arith.constant 1 : i32
    %sub3A_209 = vector.broadcast %sub3A_208 : i32 to vector<16xi32>
    %sub3A_210 = arith.subi %get3A_207, %sub3A_209 : vector<16xi32>
    %max3A_211 = arith.constant 0 : i32
    %max3A_212 = vector.broadcast %max3A_211 : i32 to vector<16xi32>
    %max3A_213 = arith.maxsi %sub3A_210, %max3A_212 : vector<16xi32>
    %add3A_214 = arith.constant 0 : i32
    %add3A_215 = vector.broadcast %add3A_214 : i32 to vector<16xi32>
    %add3A_216 = arith.addi %max3A_213, %add3A_215 : vector<16xi32>
    %swap3A_217 = arith.constant 80 : index
    %swap3A_218 = tpu.vector_load %arg8[%swap3A_217] {strides = array<i32>} : memref<816xi32, #tpu.memory_space<vmem>>, vector<16xi32>,
    %swap3A_219 = vector.shape_cast %swap3A_218 : vector<16xi32> to vector<16xi32>
    %swap3A_220 = vector.shape_cast %add3A_216 : vector<16xi32> to vector<16xi32>
    tpu.vector_store %arg8[%swap3A_217], %swap3A_220 {strides = array<i32>} : memref<816xi32, #tpu.memory_space<vmem>>, vector<16xi32>,
    %add3A_221 = arith.constant 262144 : i32
    %add3A_222 = vector.broadcast %add3A_221 : i32 to vector<16xi32>
    %add3A_223 = arith.addi %max3A_213, %add3A_222 : vector<16xi32>
    %swap3A_224 = arith.constant 352 : index
    %swap3A_225 = tpu.vector_load %arg8[%swap3A_224] {strides = array<i32>} : memref<816xi32, #tpu.memory_space<vmem>>, vector<16xi32>,
    %swap3A_226 = vector.shape_cast %swap3A_225 : vector<16xi32> to vector<16xi32>
    %swap3A_227 = vector.shape_cast %add3A_223 : vector<16xi32> to vector<16xi32>
    tpu.vector_store %arg8[%swap3A_224], %swap3A_227 {strides = array<i32>} : memref<816xi32, #tpu.memory_space<vmem>>, vector<16xi32>,
    %add3A_228 = arith.constant 524288 : i32
    %add3A_229 = vector.broadcast %add3A_228 : i32 to vector<16xi32>
    %add3A_230 = arith.addi %max3A_213, %add3A_229 : vector<16xi32>
    %swap3A_231 = arith.constant 624 : index
    %swap3A_232 = tpu.vector_load %arg8[%swap3A_231] {strides = array<i32>} : memref<816xi32, #tpu.memory_space<vmem>>, vector<16xi32>,
    %swap3A_233 = vector.shape_cast %swap3A_232 : vector<16xi32> to vector<16xi32>
    %swap3A_234 = vector.shape_cast %add3A_230 : vector<16xi32> to vector<16xi32>
    tpu.vector_store %arg8[%swap3A_231], %swap3A_234 {strides = array<i32>} : memref<816xi32, #tpu.memory_space<vmem>>, vector<16xi32>,
    %gt3A_235 = arith.constant 0 : i32
    %gt3A_236 = vector.broadcast %gt3A_235 : i32 to vector<16xi32>
    %gt3A_237 = arith.cmpi sgt, %get3A_207, %gt3A_236 : vector<16xi32>
    %jit3A_238 = arith.constant 1.000000e+00 : f32
    %jit3A_239 = arith.constant 0.000000e+00 : f32
    %broadcast_in_dim3A_240 = vector.broadcast %jit3A_238 : f32 to vector<16xf32>
    %broadcast_in_dim3A_241 = vector.broadcast %jit3A_239 : f32 to vector<16xf32>
    %select_n3A_242 = arith.select %gt3A_237, %broadcast_in_dim3A_240, %broadcast_in_dim3A_241 : vector<16xi1>, vector<16xf32>
    %swap3A_243 = arith.constant 80 : index
    %swap3A_244 = tpu.vector_load %arg9[%swap3A_243] {strides = array<i32>} : memref<272xf32, #tpu.memory_space<vmem>>, vector<16xf32>,
    %swap3A_245 = vector.shape_cast %swap3A_244 : vector<16xf32> to vector<16xf32>
    %swap3A_246 = vector.shape_cast %select_n3A_242 : vector<16xf32> to vector<16xf32>
    tpu.vector_store %arg9[%swap3A_243], %swap3A_246 {strides = array<i32>} : memref<272xf32, #tpu.memory_space<vmem>>, vector<16xf32>,
    %get3A_247 = arith.constant 96 : index
    %get3A_248 = tpu.vector_load %arg7[%get3A_247] {strides = array<i32>} : memref<272xi32, #tpu.memory_space<vmem>>, vector<16xi32>,
    %get3A_249 = vector.shape_cast %get3A_248 : vector<16xi32> to vector<16xi32>
    %sub3A_250 = arith.constant 1 : i32
    %sub3A_251 = vector.broadcast %sub3A_250 : i32 to vector<16xi32>
    %sub3A_252 = arith.subi %get3A_249, %sub3A_251 : vector<16xi32>
    %max3A_253 = arith.constant 0 : i32
    %max3A_254 = vector.broadcast %max3A_253 : i32 to vector<16xi32>
    %max3A_255 = arith.maxsi %sub3A_252, %max3A_254 : vector<16xi32>
    %add3A_256 = arith.constant 0 : i32
    %add3A_257 = vector.broadcast %add3A_256 : i32 to vector<16xi32>
    %add3A_258 = arith.addi %max3A_255, %add3A_257 : vector<16xi32>
    %swap3A_259 = arith.constant 96 : index
    %swap3A_260 = tpu.vector_load %arg8[%swap3A_259] {strides = array<i32>} : memref<816xi32, #tpu.memory_space<vmem>>, vector<16xi32>,
    %swap3A_261 = vector.shape_cast %swap3A_260 : vector<16xi32> to vector<16xi32>
    %swap3A_262 = vector.shape_cast %add3A_258 : vector<16xi32> to vector<16xi32>
    tpu.vector_store %arg8[%swap3A_259], %swap3A_262 {strides = array<i32>} : memref<816xi32, #tpu.memory_space<vmem>>, vector<16xi32>,
    %add3A_263 = arith.constant 262144 : i32
    %add3A_264 = vector.broadcast %add3A_263 : i32 to vector<16xi32>
    %add3A_265 = arith.addi %max3A_255, %add3A_264 : vector<16xi32>
    %swap3A_266 = arith.constant 368 : index
    %swap3A_267 = tpu.vector_load %arg8[%swap3A_266] {strides = array<i32>} : memref<816xi32, #tpu.memory_space<vmem>>, vector<16xi32>,
    %swap3A_268 = vector.shape_cast %swap3A_267 : vector<16xi32> to vector<16xi32>
    %swap3A_269 = vector.shape_cast %add3A_265 : vector<16xi32> to vector<16xi32>
    tpu.vector_store %arg8[%swap3A_266], %swap3A_269 {strides = array<i32>} : memref<816xi32, #tpu.memory_space<vmem>>, vector<16xi32>,
    %add3A_270 = arith.constant 524288 : i32
    %add3A_271 = vector.broadcast %add3A_270 : i32 to vector<16xi32>
    %add3A_272 = arith.addi %max3A_255, %add3A_271 : vector<16xi32>
    %swap3A_273 = arith.constant 640 : index
    %swap3A_274 = tpu.vector_load %arg8[%swap3A_273] {strides = array<i32>} : memref<816xi32, #tpu.memory_space<vmem>>, vector<16xi32>,
    %swap3A_275 = vector.shape_cast %swap3A_274 : vector<16xi32> to vector<16xi32>
    %swap3A_276 = vector.shape_cast %add3A_272 : vector<16xi32> to vector<16xi32>
    tpu.vector_store %arg8[%swap3A_273], %swap3A_276 {strides = array<i32>} : memref<816xi32, #tpu.memory_space<vmem>>, vector<16xi32>,
    %gt3A_277 = arith.constant 0 : i32
    %gt3A_278 = vector.broadcast %gt3A_277 : i32 to vector<16xi32>
    %gt3A_279 = arith.cmpi sgt, %get3A_249, %gt3A_278 : vector<16xi32>
    %jit3A_280 = arith.constant 1.000000e+00 : f32
    %jit3A_281 = arith.constant 0.000000e+00 : f32
    %broadcast_in_dim3A_282 = vector.broadcast %jit3A_280 : f32 to vector<16xf32>
    %broadcast_in_dim3A_283 = vector.broadcast %jit3A_281 : f32 to vector<16xf32>
    %select_n3A_284 = arith.select %gt3A_279, %broadcast_in_dim3A_282, %broadcast_in_dim3A_283 : vector<16xi1>, vector<16xf32>
    %swap3A_285 = arith.constant 96 : index
    %swap3A_286 = tpu.vector_load %arg9[%swap3A_285] {strides = array<i32>} : memref<272xf32, #tpu.memory_space<vmem>>, vector<16xf32>,
    %swap3A_287 = vector.shape_cast %swap3A_286 : vector<16xf32> to vector<16xf32>
    %swap3A_288 = vector.shape_cast %select_n3A_284 : vector<16xf32> to vector<16xf32>
    tpu.vector_store %arg9[%swap3A_285], %swap3A_288 {strides = array<i32>} : memref<272xf32, #tpu.memory_space<vmem>>, vector<16xf32>,
    %get3A_289 = arith.constant 112 : index
    %get3A_290 = tpu.vector_load %arg7[%get3A_289] {strides = array<i32>} : memref<272xi32, #tpu.memory_space<vmem>>, vector<16xi32>,
    %get3A_291 = vector.shape_cast %get3A_290 : vector<16xi32> to vector<16xi32>
    %sub3A_292 = arith.constant 1 : i32
    %sub3A_293 = vector.broadcast %sub3A_292 : i32 to vector<16xi32>
    %sub3A_294 = arith.subi %get3A_291, %sub3A_293 : vector<16xi32>
    %max3A_295 = arith.constant 0 : i32
    %max3A_296 = vector.broadcast %max3A_295 : i32 to vector<16xi32>
    %max3A_297 = arith.maxsi %sub3A_294, %max3A_296 : vector<16xi32>
    %add3A_298 = arith.constant 0 : i32
    %add3A_299 = vector.broadcast %add3A_298 : i32 to vector<16xi32>
    %add3A_300 = arith.addi %max3A_297, %add3A_299 : vector<16xi32>
    %swap3A_301 = arith.constant 112 : index
    %swap3A_302 = tpu.vector_load %arg8[%swap3A_301] {strides = array<i32>} : memref<816xi32, #tpu.memory_space<vmem>>, vector<16xi32>,
    %swap3A_303 = vector.shape_cast %swap3A_302 : vector<16xi32> to vector<16xi32>
    %swap3A_304 = vector.shape_cast %add3A_300 : vector<16xi32> to vector<16xi32>
    tpu.vector_store %arg8[%swap3A_301], %swap3A_304 {strides = array<i32>} : memref<816xi32, #tpu.memory_space<vmem>>, vector<16xi32>,
    %add3A_305 = arith.constant 262144 : i32
    %add3A_306 = vector.broadcast %add3A_305 : i32 to vector<16xi32>
    %add3A_307 = arith.addi %max3A_297, %add3A_306 : vector<16xi32>
    %swap3A_308 = arith.constant 384 : index
    %swap3A_309 = tpu.vector_load %arg8[%swap3A_308] {strides = array<i32>} : memref<816xi32, #tpu.memory_space<vmem>>, vector<16xi32>,
    %swap3A_310 = vector.shape_cast %swap3A_309 : vector<16xi32> to vector<16xi32>
    %swap3A_311 = vector.shape_cast %add3A_307 : vector<16xi32> to vector<16xi32>
    tpu.vector_store %arg8[%swap3A_308], %swap3A_311 {strides = array<i32>} : memref<816xi32, #tpu.memory_space<vmem>>, vector<16xi32>,
    %add3A_312 = arith.constant 524288 : i32
    %add3A_313 = vector.broadcast %add3A_312 : i32 to vector<16xi32>
    %add3A_314 = arith.addi %max3A_297, %add3A_313 : vector<16xi32>
    %swap3A_315 = arith.constant 656 : index
    %swap3A_316 = tpu.vector_load %arg8[%swap3A_315] {strides = array<i32>} : memref<816xi32, #tpu.memory_space<vmem>>, vector<16xi32>,
    %swap3A_317 = vector.shape_cast %swap3A_316 : vector<16xi32> to vector<16xi32>
    %swap3A_318 = vector.shape_cast %add3A_314 : vector<16xi32> to vector<16xi32>
    tpu.vector_store %arg8[%swap3A_315], %swap3A_318 {strides = array<i32>} : memref<816xi32, #tpu.memory_space<vmem>>, vector<16xi32>,
    %gt3A_319 = arith.constant 0 : i32
    %gt3A_320 = vector.broadcast %gt3A_319 : i32 to vector<16xi32>
    %gt3A_321 = arith.cmpi sgt, %get3A_291, %gt3A_320 : vector<16xi32>
    %jit3A_322 = arith.constant 1.000000e+00 : f32
    %jit3A_323 = arith.constant 0.000000e+00 : f32
    %broadcast_in_dim3A_324 = vector.broadcast %jit3A_322 : f32 to vector<16xf32>
    %broadcast_in_dim3A_325 = vector.broadcast %jit3A_323 : f32 to vector<16xf32>
    %select_n3A_326 = arith.select %gt3A_321, %broadcast_in_dim3A_324, %broadcast_in_dim3A_325 : vector<16xi1>, vector<16xf32>
    %swap3A_327 = arith.constant 112 : index
    %swap3A_328 = tpu.vector_load %arg9[%swap3A_327] {strides = array<i32>} : memref<272xf32, #tpu.memory_space<vmem>>, vector<16xf32>,
    %swap3A_329 = vector.shape_cast %swap3A_328 : vector<16xf32> to vector<16xf32>
    %swap3A_330 = vector.shape_cast %select_n3A_326 : vector<16xf32> to vector<16xf32>
    tpu.vector_store %arg9[%swap3A_327], %swap3A_330 {strides = array<i32>} : memref<272xf32, #tpu.memory_space<vmem>>, vector<16xf32>,
    %get3A_331 = arith.constant 128 : index
    %get3A_332 = tpu.vector_load %arg7[%get3A_331] {strides = array<i32>} : memref<272xi32, #tpu.memory_space<vmem>>, vector<16xi32>,
    %get3A_333 = vector.shape_cast %get3A_332 : vector<16xi32> to vector<16xi32>
    %sub3A_334 = arith.constant 1 : i32
    %sub3A_335 = vector.broadcast %sub3A_334 : i32 to vector<16xi32>
    %sub3A_336 = arith.subi %get3A_333, %sub3A_335 : vector<16xi32>
    %max3A_337 = arith.constant 0 : i32
    %max3A_338 = vector.broadcast %max3A_337 : i32 to vector<16xi32>
    %max3A_339 = arith.maxsi %sub3A_336, %max3A_338 : vector<16xi32>
    %add3A_340 = arith.constant 0 : i32
    %add3A_341 = vector.broadcast %add3A_340 : i32 to vector<16xi32>
    %add3A_342 = arith.addi %max3A_339, %add3A_341 : vector<16xi32>
    %swap3A_343 = arith.constant 128 : index
    %swap3A_344 = tpu.vector_load %arg8[%swap3A_343] {strides = array<i32>} : memref<816xi32, #tpu.memory_space<vmem>>, vector<16xi32>,
    %swap3A_345 = vector.shape_cast %swap3A_344 : vector<16xi32> to vector<16xi32>
    %swap3A_346 = vector.shape_cast %add3A_342 : vector<16xi32> to vector<16xi32>
    tpu.vector_store %arg8[%swap3A_343], %swap3A_346 {strides = array<i32>} : memref<816xi32, #tpu.memory_space<vmem>>, vector<16xi32>,
    %add3A_347 = arith.constant 262144 : i32
    %add3A_348 = vector.broadcast %add3A_347 : i32 to vector<16xi32>
    %add3A_349 = arith.addi %max3A_339, %add3A_348 : vector<16xi32>
    %swap3A_350 = arith.constant 400 : index
    %swap3A_351 = tpu.vector_load %arg8[%swap3A_350] {strides = array<i32>} : memref<816xi32, #tpu.memory_space<vmem>>, vector<16xi32>,
    %swap3A_352 = vector.shape_cast %swap3A_351 : vector<16xi32> to vector<16xi32>
    %swap3A_353 = vector.shape_cast %add3A_349 : vector<16xi32> to vector<16xi32>
    tpu.vector_store %arg8[%swap3A_350], %swap3A_353 {strides = array<i32>} : memref<816xi32, #tpu.memory_space<vmem>>, vector<16xi32>,
    %add3A_354 = arith.constant 524288 : i32
    %add3A_355 = vector.broadcast %add3A_354 : i32 to vector<16xi32>
    %add3A_356 = arith.addi %max3A_339, %add3A_355 : vector<16xi32>
    %swap3A_357 = arith.constant 672 : index
    %swap3A_358 = tpu.vector_load %arg8[%swap3A_357] {strides = array<i32>} : memref<816xi32, #tpu.memory_space<vmem>>, vector<16xi32>,
    %swap3A_359 = vector.shape_cast %swap3A_358 : vector<16xi32> to vector<16xi32>
    %swap3A_360 = vector.shape_cast %add3A_356 : vector<16xi32> to vector<16xi32>
    tpu.vector_store %arg8[%swap3A_357], %swap3A_360 {strides = array<i32>} : memref<816xi32, #tpu.memory_space<vmem>>, vector<16xi32>,
    %gt3A_361 = arith.constant 0 : i32
    %gt3A_362 = vector.broadcast %gt3A_361 : i32 to vector<16xi32>
    %gt3A_363 = arith.cmpi sgt, %get3A_333, %gt3A_362 : vector<16xi32>
    %jit3A_364 = arith.constant 1.000000e+00 : f32
    %jit3A_365 = arith.constant 0.000000e+00 : f32
    %broadcast_in_dim3A_366 = vector.broadcast %jit3A_364 : f32 to vector<16xf32>
    %broadcast_in_dim3A_367 = vector.broadcast %jit3A_365 : f32 to vector<16xf32>
    %select_n3A_368 = arith.select %gt3A_363, %broadcast_in_dim3A_366, %broadcast_in_dim3A_367 : vector<16xi1>, vector<16xf32>
    %swap3A_369 = arith.constant 128 : index
    %swap3A_370 = tpu.vector_load %arg9[%swap3A_369] {strides = array<i32>} : memref<272xf32, #tpu.memory_space<vmem>>, vector<16xf32>,
    %swap3A_371 = vector.shape_cast %swap3A_370 : vector<16xf32> to vector<16xf32>
    %swap3A_372 = vector.shape_cast %select_n3A_368 : vector<16xf32> to vector<16xf32>
    tpu.vector_store %arg9[%swap3A_369], %swap3A_372 {strides = array<i32>} : memref<272xf32, #tpu.memory_space<vmem>>, vector<16xf32>,
    %get3A_373 = arith.constant 144 : index
    %get3A_374 = tpu.vector_load %arg7[%get3A_373] {strides = array<i32>} : memref<272xi32, #tpu.memory_space<vmem>>, vector<16xi32>,
    %get3A_375 = vector.shape_cast %get3A_374 : vector<16xi32> to vector<16xi32>
    %sub3A_376 = arith.constant 1 : i32
    %sub3A_377 = vector.broadcast %sub3A_376 : i32 to vector<16xi32>
    %sub3A_378 = arith.subi %get3A_375, %sub3A_377 : vector<16xi32>
    %max3A_379 = arith.constant 0 : i32
    %max3A_380 = vector.broadcast %max3A_379 : i32 to vector<16xi32>
    %max3A_381 = arith.maxsi %sub3A_378, %max3A_380 : vector<16xi32>
    %add3A_382 = arith.constant 0 : i32
    %add3A_383 = vector.broadcast %add3A_382 : i32 to vector<16xi32>
    %add3A_384 = arith.addi %max3A_381, %add3A_383 : vector<16xi32>
    %swap3A_385 = arith.constant 144 : index
    %swap3A_386 = tpu.vector_load %arg8[%swap3A_385] {strides = array<i32>} : memref<816xi32, #tpu.memory_space<vmem>>, vector<16xi32>,
    %swap3A_387 = vector.shape_cast %swap3A_386 : vector<16xi32> to vector<16xi32>
    %swap3A_388 = vector.shape_cast %add3A_384 : vector<16xi32> to vector<16xi32>
    tpu.vector_store %arg8[%swap3A_385], %swap3A_388 {strides = array<i32>} : memref<816xi32, #tpu.memory_space<vmem>>, vector<16xi32>,
    %add3A_389 = arith.constant 262144 : i32
    %add3A_390 = vector.broadcast %add3A_389 : i32 to vector<16xi32>
    %add3A_391 = arith.addi %max3A_381, %add3A_390 : vector<16xi32>
    %swap3A_392 = arith.constant 416 : index
    %swap3A_393 = tpu.vector_load %arg8[%swap3A_392] {strides = array<i32>} : memref<816xi32, #tpu.memory_space<vmem>>, vector<16xi32>,
    %swap3A_394 = vector.shape_cast %swap3A_393 : vector<16xi32> to vector<16xi32>
    %swap3A_395 = vector.shape_cast %add3A_391 : vector<16xi32> to vector<16xi32>
    tpu.vector_store %arg8[%swap3A_392], %swap3A_395 {strides = array<i32>} : memref<816xi32, #tpu.memory_space<vmem>>, vector<16xi32>,
    %add3A_396 = arith.constant 524288 : i32
    %add3A_397 = vector.broadcast %add3A_396 : i32 to vector<16xi32>
    %add3A_398 = arith.addi %max3A_381, %add3A_397 : vector<16xi32>
    %swap3A_399 = arith.constant 688 : index
    %swap3A_400 = tpu.vector_load %arg8[%swap3A_399] {strides = array<i32>} : memref<816xi32, #tpu.memory_space<vmem>>, vector<16xi32>,
    %swap3A_401 = vector.shape_cast %swap3A_400 : vector<16xi32> to vector<16xi32>
    %swap3A_402 = vector.shape_cast %add3A_398 : vector<16xi32> to vector<16xi32>
    tpu.vector_store %arg8[%swap3A_399], %swap3A_402 {strides = array<i32>} : memref<816xi32, #tpu.memory_space<vmem>>, vector<16xi32>,
    %gt3A_403 = arith.constant 0 : i32
    %gt3A_404 = vector.broadcast %gt3A_403 : i32 to vector<16xi32>
    %gt3A_405 = arith.cmpi sgt, %get3A_375, %gt3A_404 : vector<16xi32>
    %jit3A_406 = arith.constant 1.000000e+00 : f32
    %jit3A_407 = arith.constant 0.000000e+00 : f32
    %broadcast_in_dim3A_408 = vector.broadcast %jit3A_406 : f32 to vector<16xf32>
    %broadcast_in_dim3A_409 = vector.broadcast %jit3A_407 : f32 to vector<16xf32>
    %select_n3A_410 = arith.select %gt3A_405, %broadcast_in_dim3A_408, %broadcast_in_dim3A_409 : vector<16xi1>, vector<16xf32>
    %swap3A_411 = arith.constant 144 : index
    %swap3A_412 = tpu.vector_load %arg9[%swap3A_411] {strides = array<i32>} : memref<272xf32, #tpu.memory_space<vmem>>, vector<16xf32>,
    %swap3A_413 = vector.shape_cast %swap3A_412 : vector<16xf32> to vector<16xf32>
    %swap3A_414 = vector.shape_cast %select_n3A_410 : vector<16xf32> to vector<16xf32>
    tpu.vector_store %arg9[%swap3A_411], %swap3A_414 {strides = array<i32>} : memref<272xf32, #tpu.memory_space<vmem>>, vector<16xf32>,
    %get3A_415 = arith.constant 160 : index
    %get3A_416 = tpu.vector_load %arg7[%get3A_415] {strides = array<i32>} : memref<272xi32, #tpu.memory_space<vmem>>, vector<16xi32>,
    %get3A_417 = vector.shape_cast %get3A_416 : vector<16xi32> to vector<16xi32>
    %sub3A_418 = arith.constant 1 : i32
    %sub3A_419 = vector.broadcast %sub3A_418 : i32 to vector<16xi32>
    %sub3A_420 = arith.subi %get3A_417, %sub3A_419 : vector<16xi32>
    %max3A_421 = arith.constant 0 : i32
    %max3A_422 = vector.broadcast %max3A_421 : i32 to vector<16xi32>
    %max3A_423 = arith.maxsi %sub3A_420, %max3A_422 : vector<16xi32>
    %add3A_424 = arith.constant 0 : i32
    %add3A_425 = vector.broadcast %add3A_424 : i32 to vector<16xi32>
    %add3A_426 = arith.addi %max3A_423, %add3A_425 : vector<16xi32>
    %swap3A_427 = arith.constant 160 : index
    %swap3A_428 = tpu.vector_load %arg8[%swap3A_427] {strides = array<i32>} : memref<816xi32, #tpu.memory_space<vmem>>, vector<16xi32>,
    %swap3A_429 = vector.shape_cast %swap3A_428 : vector<16xi32> to vector<16xi32>
    %swap3A_430 = vector.shape_cast %add3A_426 : vector<16xi32> to vector<16xi32>
    tpu.vector_store %arg8[%swap3A_427], %swap3A_430 {strides = array<i32>} : memref<816xi32, #tpu.memory_space<vmem>>, vector<16xi32>,
    %add3A_431 = arith.constant 262144 : i32
    %add3A_432 = vector.broadcast %add3A_431 : i32 to vector<16xi32>
    %add3A_433 = arith.addi %max3A_423, %add3A_432 : vector<16xi32>
    %swap3A_434 = arith.constant 432 : index
    %swap3A_435 = tpu.vector_load %arg8[%swap3A_434] {strides = array<i32>} : memref<816xi32, #tpu.memory_space<vmem>>, vector<16xi32>,
    %swap3A_436 = vector.shape_cast %swap3A_435 : vector<16xi32> to vector<16xi32>
    %swap3A_437 = vector.shape_cast %add3A_433 : vector<16xi32> to vector<16xi32>
    tpu.vector_store %arg8[%swap3A_434], %swap3A_437 {strides = array<i32>} : memref<816xi32, #tpu.memory_space<vmem>>, vector<16xi32>,
    %add3A_438 = arith.constant 524288 : i32
    %add3A_439 = vector.broadcast %add3A_438 : i32 to vector<16xi32>
    %add3A_440 = arith.addi %max3A_423, %add3A_439 : vector<16xi32>
    %swap3A_441 = arith.constant 704 : index
    %swap3A_442 = tpu.vector_load %arg8[%swap3A_441] {strides = array<i32>} : memref<816xi32, #tpu.memory_space<vmem>>, vector<16xi32>,
    %swap3A_443 = vector.shape_cast %swap3A_442 : vector<16xi32> to vector<16xi32>
    %swap3A_444 = vector.shape_cast %add3A_440 : vector<16xi32> to vector<16xi32>
    tpu.vector_store %arg8[%swap3A_441], %swap3A_444 {strides = array<i32>} : memref<816xi32, #tpu.memory_space<vmem>>, vector<16xi32>,
    %gt3A_445 = arith.constant 0 : i32
    %gt3A_446 = vector.broadcast %gt3A_445 : i32 to vector<16xi32>
    %gt3A_447 = arith.cmpi sgt, %get3A_417, %gt3A_446 : vector<16xi32>
    %jit3A_448 = arith.constant 1.000000e+00 : f32
    %jit3A_449 = arith.constant 0.000000e+00 : f32
    %broadcast_in_dim3A_450 = vector.broadcast %jit3A_448 : f32 to vector<16xf32>
    %broadcast_in_dim3A_451 = vector.broadcast %jit3A_449 : f32 to vector<16xf32>
    %select_n3A_452 = arith.select %gt3A_447, %broadcast_in_dim3A_450, %broadcast_in_dim3A_451 : vector<16xi1>, vector<16xf32>
    %swap3A_453 = arith.constant 160 : index
    %swap3A_454 = tpu.vector_load %arg9[%swap3A_453] {strides = array<i32>} : memref<272xf32, #tpu.memory_space<vmem>>, vector<16xf32>,
    %swap3A_455 = vector.shape_cast %swap3A_454 : vector<16xf32> to vector<16xf32>
    %swap3A_456 = vector.shape_cast %select_n3A_452 : vector<16xf32> to vector<16xf32>
    tpu.vector_store %arg9[%swap3A_453], %swap3A_456 {strides = array<i32>} : memref<272xf32, #tpu.memory_space<vmem>>, vector<16xf32>,
    %get3A_457 = arith.constant 176 : index
    %get3A_458 = tpu.vector_load %arg7[%get3A_457] {strides = array<i32>} : memref<272xi32, #tpu.memory_space<vmem>>, vector<16xi32>,
    %get3A_459 = vector.shape_cast %get3A_458 : vector<16xi32> to vector<16xi32>
    %sub3A_460 = arith.constant 1 : i32
    %sub3A_461 = vector.broadcast %sub3A_460 : i32 to vector<16xi32>
    %sub3A_462 = arith.subi %get3A_459, %sub3A_461 : vector<16xi32>
    %max3A_463 = arith.constant 0 : i32
    %max3A_464 = vector.broadcast %max3A_463 : i32 to vector<16xi32>
    %max3A_465 = arith.maxsi %sub3A_462, %max3A_464 : vector<16xi32>
    %add3A_466 = arith.constant 0 : i32
    %add3A_467 = vector.broadcast %add3A_466 : i32 to vector<16xi32>
    %add3A_468 = arith.addi %max3A_465, %add3A_467 : vector<16xi32>
    %swap3A_469 = arith.constant 176 : index
    %swap3A_470 = tpu.vector_load %arg8[%swap3A_469] {strides = array<i32>} : memref<816xi32, #tpu.memory_space<vmem>>, vector<16xi32>,
    %swap3A_471 = vector.shape_cast %swap3A_470 : vector<16xi32> to vector<16xi32>
    %swap3A_472 = vector.shape_cast %add3A_468 : vector<16xi32> to vector<16xi32>
    tpu.vector_store %arg8[%swap3A_469], %swap3A_472 {strides = array<i32>} : memref<816xi32, #tpu.memory_space<vmem>>, vector<16xi32>,
    %add3A_473 = arith.constant 262144 : i32
    %add3A_474 = vector.broadcast %add3A_473 : i32 to vector<16xi32>
    %add3A_475 = arith.addi %max3A_465, %add3A_474 : vector<16xi32>
    %swap3A_476 = arith.constant 448 : index
    %swap3A_477 = tpu.vector_load %arg8[%swap3A_476] {strides = array<i32>} : memref<816xi32, #tpu.memory_space<vmem>>, vector<16xi32>,
    %swap3A_478 = vector.shape_cast %swap3A_477 : vector<16xi32> to vector<16xi32>
    %swap3A_479 = vector.shape_cast %add3A_475 : vector<16xi32> to vector<16xi32>
    tpu.vector_store %arg8[%swap3A_476], %swap3A_479 {strides = array<i32>} : memref<816xi32, #tpu.memory_space<vmem>>, vector<16xi32>,
    %add3A_480 = arith.constant 524288 : i32
    %add3A_481 = vector.broadcast %add3A_480 : i32 to vector<16xi32>
    %add3A_482 = arith.addi %max3A_465, %add3A_481 : vector<16xi32>
    %swap3A_483 = arith.constant 720 : index
    %swap3A_484 = tpu.vector_load %arg8[%swap3A_483] {strides = array<i32>} : memref<816xi32, #tpu.memory_space<vmem>>, vector<16xi32>,
    %swap3A_485 = vector.shape_cast %swap3A_484 : vector<16xi32> to vector<16xi32>
    %swap3A_486 = vector.shape_cast %add3A_482 : vector<16xi32> to vector<16xi32>
    tpu.vector_store %arg8[%swap3A_483], %swap3A_486 {strides = array<i32>} : memref<816xi32, #tpu.memory_space<vmem>>, vector<16xi32>,
    %gt3A_487 = arith.constant 0 : i32
    %gt3A_488 = vector.broadcast %gt3A_487 : i32 to vector<16xi32>
    %gt3A_489 = arith.cmpi sgt, %get3A_459, %gt3A_488 : vector<16xi32>
    %jit3A_490 = arith.constant 1.000000e+00 : f32
    %jit3A_491 = arith.constant 0.000000e+00 : f32
    %broadcast_in_dim3A_492 = vector.broadcast %jit3A_490 : f32 to vector<16xf32>
    %broadcast_in_dim3A_493 = vector.broadcast %jit3A_491 : f32 to vector<16xf32>
    %select_n3A_494 = arith.select %gt3A_489, %broadcast_in_dim3A_492, %broadcast_in_dim3A_493 : vector<16xi1>, vector<16xf32>
    %swap3A_495 = arith.constant 176 : index
    %swap3A_496 = tpu.vector_load %arg9[%swap3A_495] {strides = array<i32>} : memref<272xf32, #tpu.memory_space<vmem>>, vector<16xf32>,
    %swap3A_497 = vector.shape_cast %swap3A_496 : vector<16xf32> to vector<16xf32>
    %swap3A_498 = vector.shape_cast %select_n3A_494 : vector<16xf32> to vector<16xf32>
    tpu.vector_store %arg9[%swap3A_495], %swap3A_498 {strides = array<i32>} : memref<272xf32, #tpu.memory_space<vmem>>, vector<16xf32>,
    %get3A_499 = arith.constant 192 : index
    %get3A_500 = tpu.vector_load %arg7[%get3A_499] {strides = array<i32>} : memref<272xi32, #tpu.memory_space<vmem>>, vector<16xi32>,
    %get3A_501 = vector.shape_cast %get3A_500 : vector<16xi32> to vector<16xi32>
    %sub3A_502 = arith.constant 1 : i32
    %sub3A_503 = vector.broadcast %sub3A_502 : i32 to vector<16xi32>
    %sub3A_504 = arith.subi %get3A_501, %sub3A_503 : vector<16xi32>
    %max3A_505 = arith.constant 0 : i32
    %max3A_506 = vector.broadcast %max3A_505 : i32 to vector<16xi32>
    %max3A_507 = arith.maxsi %sub3A_504, %max3A_506 : vector<16xi32>
    %add3A_508 = arith.constant 0 : i32
    %add3A_509 = vector.broadcast %add3A_508 : i32 to vector<16xi32>
    %add3A_510 = arith.addi %max3A_507, %add3A_509 : vector<16xi32>
    %swap3A_511 = arith.constant 192 : index
    %swap3A_512 = tpu.vector_load %arg8[%swap3A_511] {strides = array<i32>} : memref<816xi32, #tpu.memory_space<vmem>>, vector<16xi32>,
    %swap3A_513 = vector.shape_cast %swap3A_512 : vector<16xi32> to vector<16xi32>
    %swap3A_514 = vector.shape_cast %add3A_510 : vector<16xi32> to vector<16xi32>
    tpu.vector_store %arg8[%swap3A_511], %swap3A_514 {strides = array<i32>} : memref<816xi32, #tpu.memory_space<vmem>>, vector<16xi32>,
    %add3A_515 = arith.constant 262144 : i32
    %add3A_516 = vector.broadcast %add3A_515 : i32 to vector<16xi32>
    %add3A_517 = arith.addi %max3A_507, %add3A_516 : vector<16xi32>
    %swap3A_518 = arith.constant 464 : index
    %swap3A_519 = tpu.vector_load %arg8[%swap3A_518] {strides = array<i32>} : memref<816xi32, #tpu.memory_space<vmem>>, vector<16xi32>,
    %swap3A_520 = vector.shape_cast %swap3A_519 : vector<16xi32> to vector<16xi32>
    %swap3A_521 = vector.shape_cast %add3A_517 : vector<16xi32> to vector<16xi32>
    tpu.vector_store %arg8[%swap3A_518], %swap3A_521 {strides = array<i32>} : memref<816xi32, #tpu.memory_space<vmem>>, vector<16xi32>,
    %add3A_522 = arith.constant 524288 : i32
    %add3A_523 = vector.broadcast %add3A_522 : i32 to vector<16xi32>
    %add3A_524 = arith.addi %max3A_507, %add3A_523 : vector<16xi32>
    %swap3A_525 = arith.constant 736 : index
    %swap3A_526 = tpu.vector_load %arg8[%swap3A_525] {strides = array<i32>} : memref<816xi32, #tpu.memory_space<vmem>>, vector<16xi32>,
    %swap3A_527 = vector.shape_cast %swap3A_526 : vector<16xi32> to vector<16xi32>
    %swap3A_528 = vector.shape_cast %add3A_524 : vector<16xi32> to vector<16xi32>
    tpu.vector_store %arg8[%swap3A_525], %swap3A_528 {strides = array<i32>} : memref<816xi32, #tpu.memory_space<vmem>>, vector<16xi32>,
    %gt3A_529 = arith.constant 0 : i32
    %gt3A_530 = vector.broadcast %gt3A_529 : i32 to vector<16xi32>
    %gt3A_531 = arith.cmpi sgt, %get3A_501, %gt3A_530 : vector<16xi32>
    %jit3A_532 = arith.constant 1.000000e+00 : f32
    %jit3A_533 = arith.constant 0.000000e+00 : f32
    %broadcast_in_dim3A_534 = vector.broadcast %jit3A_532 : f32 to vector<16xf32>
    %broadcast_in_dim3A_535 = vector.broadcast %jit3A_533 : f32 to vector<16xf32>
    %select_n3A_536 = arith.select %gt3A_531, %broadcast_in_dim3A_534, %broadcast_in_dim3A_535 : vector<16xi1>, vector<16xf32>
    %swap3A_537 = arith.constant 192 : index
    %swap3A_538 = tpu.vector_load %arg9[%swap3A_537] {strides = array<i32>} : memref<272xf32, #tpu.memory_space<vmem>>, vector<16xf32>,
    %swap3A_539 = vector.shape_cast %swap3A_538 : vector<16xf32> to vector<16xf32>
    %swap3A_540 = vector.shape_cast %select_n3A_536 : vector<16xf32> to vector<16xf32>
    tpu.vector_store %arg9[%swap3A_537], %swap3A_540 {strides = array<i32>} : memref<272xf32, #tpu.memory_space<vmem>>, vector<16xf32>,
    %get3A_541 = arith.constant 208 : index
    %get3A_542 = tpu.vector_load %arg7[%get3A_541] {strides = array<i32>} : memref<272xi32, #tpu.memory_space<vmem>>, vector<16xi32>,
    %get3A_543 = vector.shape_cast %get3A_542 : vector<16xi32> to vector<16xi32>
    %sub3A_544 = arith.constant 1 : i32
    %sub3A_545 = vector.broadcast %sub3A_544 : i32 to vector<16xi32>
    %sub3A_546 = arith.subi %get3A_543, %sub3A_545 : vector<16xi32>
    %max3A_547 = arith.constant 0 : i32
    %max3A_548 = vector.broadcast %max3A_547 : i32 to vector<16xi32>
    %max3A_549 = arith.maxsi %sub3A_546, %max3A_548 : vector<16xi32>
    %add3A_550 = arith.constant 0 : i32
    %add3A_551 = vector.broadcast %add3A_550 : i32 to vector<16xi32>
    %add3A_552 = arith.addi %max3A_549, %add3A_551 : vector<16xi32>
    %swap3A_553 = arith.constant 208 : index
    %swap3A_554 = tpu.vector_load %arg8[%swap3A_553] {strides = array<i32>} : memref<816xi32, #tpu.memory_space<vmem>>, vector<16xi32>,
    %swap3A_555 = vector.shape_cast %swap3A_554 : vector<16xi32> to vector<16xi32>
    %swap3A_556 = vector.shape_cast %add3A_552 : vector<16xi32> to vector<16xi32>
    tpu.vector_store %arg8[%swap3A_553], %swap3A_556 {strides = array<i32>} : memref<816xi32, #tpu.memory_space<vmem>>, vector<16xi32>,
    %add3A_557 = arith.constant 262144 : i32
    %add3A_558 = vector.broadcast %add3A_557 : i32 to vector<16xi32>
    %add3A_559 = arith.addi %max3A_549, %add3A_558 : vector<16xi32>
    %swap3A_560 = arith.constant 480 : index
    %swap3A_561 = tpu.vector_load %arg8[%swap3A_560] {strides = array<i32>} : memref<816xi32, #tpu.memory_space<vmem>>, vector<16xi32>,
    %swap3A_562 = vector.shape_cast %swap3A_561 : vector<16xi32> to vector<16xi32>
    %swap3A_563 = vector.shape_cast %add3A_559 : vector<16xi32> to vector<16xi32>
    tpu.vector_store %arg8[%swap3A_560], %swap3A_563 {strides = array<i32>} : memref<816xi32, #tpu.memory_space<vmem>>, vector<16xi32>,
    %add3A_564 = arith.constant 524288 : i32
    %add3A_565 = vector.broadcast %add3A_564 : i32 to vector<16xi32>
    %add3A_566 = arith.addi %max3A_549, %add3A_565 : vector<16xi32>
    %swap3A_567 = arith.constant 752 : index
    %swap3A_568 = tpu.vector_load %arg8[%swap3A_567] {strides = array<i32>} : memref<816xi32, #tpu.memory_space<vmem>>, vector<16xi32>,
    %swap3A_569 = vector.shape_cast %swap3A_568 : vector<16xi32> to vector<16xi32>
    %swap3A_570 = vector.shape_cast %add3A_566 : vector<16xi32> to vector<16xi32>
    tpu.vector_store %arg8[%swap3A_567], %swap3A_570 {strides = array<i32>} : memref<816xi32, #tpu.memory_space<vmem>>, vector<16xi32>,
    %gt3A_571 = arith.constant 0 : i32
    %gt3A_572 = vector.broadcast %gt3A_571 : i32 to vector<16xi32>
    %gt3A_573 = arith.cmpi sgt, %get3A_543, %gt3A_572 : vector<16xi32>
    %jit3A_574 = arith.constant 1.000000e+00 : f32
    %jit3A_575 = arith.constant 0.000000e+00 : f32
    %broadcast_in_dim3A_576 = vector.broadcast %jit3A_574 : f32 to vector<16xf32>
    %broadcast_in_dim3A_577 = vector.broadcast %jit3A_575 : f32 to vector<16xf32>
    %select_n3A_578 = arith.select %gt3A_573, %broadcast_in_dim3A_576, %broadcast_in_dim3A_577 : vector<16xi1>, vector<16xf32>
    %swap3A_579 = arith.constant 208 : index
    %swap3A_580 = tpu.vector_load %arg9[%swap3A_579] {strides = array<i32>} : memref<272xf32, #tpu.memory_space<vmem>>, vector<16xf32>,
    %swap3A_581 = vector.shape_cast %swap3A_580 : vector<16xf32> to vector<16xf32>
    %swap3A_582 = vector.shape_cast %select_n3A_578 : vector<16xf32> to vector<16xf32>
    tpu.vector_store %arg9[%swap3A_579], %swap3A_582 {strides = array<i32>} : memref<272xf32, #tpu.memory_space<vmem>>, vector<16xf32>,
    %get3A_583 = arith.constant 224 : index
    %get3A_584 = tpu.vector_load %arg7[%get3A_583] {strides = array<i32>} : memref<272xi32, #tpu.memory_space<vmem>>, vector<16xi32>,
    %get3A_585 = vector.shape_cast %get3A_584 : vector<16xi32> to vector<16xi32>
    %sub3A_586 = arith.constant 1 : i32
    %sub3A_587 = vector.broadcast %sub3A_586 : i32 to vector<16xi32>
    %sub3A_588 = arith.subi %get3A_585, %sub3A_587 : vector<16xi32>
    %max3A_589 = arith.constant 0 : i32
    %max3A_590 = vector.broadcast %max3A_589 : i32 to vector<16xi32>
    %max3A_591 = arith.maxsi %sub3A_588, %max3A_590 : vector<16xi32>
    %add3A_592 = arith.constant 0 : i32
    %add3A_593 = vector.broadcast %add3A_592 : i32 to vector<16xi32>
    %add3A_594 = arith.addi %max3A_591, %add3A_593 : vector<16xi32>
    %swap3A_595 = arith.constant 224 : index
    %swap3A_596 = tpu.vector_load %arg8[%swap3A_595] {strides = array<i32>} : memref<816xi32, #tpu.memory_space<vmem>>, vector<16xi32>,
    %swap3A_597 = vector.shape_cast %swap3A_596 : vector<16xi32> to vector<16xi32>
    %swap3A_598 = vector.shape_cast %add3A_594 : vector<16xi32> to vector<16xi32>
    tpu.vector_store %arg8[%swap3A_595], %swap3A_598 {strides = array<i32>} : memref<816xi32, #tpu.memory_space<vmem>>, vector<16xi32>,
    %add3A_599 = arith.constant 262144 : i32
    %add3A_600 = vector.broadcast %add3A_599 : i32 to vector<16xi32>
    %add3A_601 = arith.addi %max3A_591, %add3A_600 : vector<16xi32>
    %swap3A_602 = arith.constant 496 : index
    %swap3A_603 = tpu.vector_load %arg8[%swap3A_602] {strides = array<i32>} : memref<816xi32, #tpu.memory_space<vmem>>, vector<16xi32>,
    %swap3A_604 = vector.shape_cast %swap3A_603 : vector<16xi32> to vector<16xi32>
    %swap3A_605 = vector.shape_cast %add3A_601 : vector<16xi32> to vector<16xi32>
    tpu.vector_store %arg8[%swap3A_602], %swap3A_605 {strides = array<i32>} : memref<816xi32, #tpu.memory_space<vmem>>, vector<16xi32>,
    %add3A_606 = arith.constant 524288 : i32
    %add3A_607 = vector.broadcast %add3A_606 : i32 to vector<16xi32>
    %add3A_608 = arith.addi %max3A_591, %add3A_607 : vector<16xi32>
    %swap3A_609 = arith.constant 768 : index
    %swap3A_610 = tpu.vector_load %arg8[%swap3A_609] {strides = array<i32>} : memref<816xi32, #tpu.memory_space<vmem>>, vector<16xi32>,
    %swap3A_611 = vector.shape_cast %swap3A_610 : vector<16xi32> to vector<16xi32>
    %swap3A_612 = vector.shape_cast %add3A_608 : vector<16xi32> to vector<16xi32>
    tpu.vector_store %arg8[%swap3A_609], %swap3A_612 {strides = array<i32>} : memref<816xi32, #tpu.memory_space<vmem>>, vector<16xi32>,
    %gt3A_613 = arith.constant 0 : i32
    %gt3A_614 = vector.broadcast %gt3A_613 : i32 to vector<16xi32>
    %gt3A_615 = arith.cmpi sgt, %get3A_585, %gt3A_614 : vector<16xi32>
    %jit3A_616 = arith.constant 1.000000e+00 : f32
    %jit3A_617 = arith.constant 0.000000e+00 : f32
    %broadcast_in_dim3A_618 = vector.broadcast %jit3A_616 : f32 to vector<16xf32>
    %broadcast_in_dim3A_619 = vector.broadcast %jit3A_617 : f32 to vector<16xf32>
    %select_n3A_620 = arith.select %gt3A_615, %broadcast_in_dim3A_618, %broadcast_in_dim3A_619 : vector<16xi1>, vector<16xf32>
    %swap3A_621 = arith.constant 224 : index
    %swap3A_622 = tpu.vector_load %arg9[%swap3A_621] {strides = array<i32>} : memref<272xf32, #tpu.memory_space<vmem>>, vector<16xf32>,
    %swap3A_623 = vector.shape_cast %swap3A_622 : vector<16xf32> to vector<16xf32>
    %swap3A_624 = vector.shape_cast %select_n3A_620 : vector<16xf32> to vector<16xf32>
    tpu.vector_store %arg9[%swap3A_621], %swap3A_624 {strides = array<i32>} : memref<272xf32, #tpu.memory_space<vmem>>, vector<16xf32>,
    %get3A_625 = arith.constant 240 : index
    %get3A_626 = tpu.vector_load %arg7[%get3A_625] {strides = array<i32>} : memref<272xi32, #tpu.memory_space<vmem>>, vector<16xi32>,
    %get3A_627 = vector.shape_cast %get3A_626 : vector<16xi32> to vector<16xi32>
    %sub3A_628 = arith.constant 1 : i32
    %sub3A_629 = vector.broadcast %sub3A_628 : i32 to vector<16xi32>
    %sub3A_630 = arith.subi %get3A_627, %sub3A_629 : vector<16xi32>
    %max3A_631 = arith.constant 0 : i32
    %max3A_632 = vector.broadcast %max3A_631 : i32 to vector<16xi32>
    %max3A_633 = arith.maxsi %sub3A_630, %max3A_632 : vector<16xi32>
    %add3A_634 = arith.constant 0 : i32
    %add3A_635 = vector.broadcast %add3A_634 : i32 to vector<16xi32>
    %add3A_636 = arith.addi %max3A_633, %add3A_635 : vector<16xi32>
    %swap3A_637 = arith.constant 240 : index
    %swap3A_638 = tpu.vector_load %arg8[%swap3A_637] {strides = array<i32>} : memref<816xi32, #tpu.memory_space<vmem>>, vector<16xi32>,
    %swap3A_639 = vector.shape_cast %swap3A_638 : vector<16xi32> to vector<16xi32>
    %swap3A_640 = vector.shape_cast %add3A_636 : vector<16xi32> to vector<16xi32>
    tpu.vector_store %arg8[%swap3A_637], %swap3A_640 {strides = array<i32>} : memref<816xi32, #tpu.memory_space<vmem>>, vector<16xi32>,
    %add3A_641 = arith.constant 262144 : i32
    %add3A_642 = vector.broadcast %add3A_641 : i32 to vector<16xi32>
    %add3A_643 = arith.addi %max3A_633, %add3A_642 : vector<16xi32>
    %swap3A_644 = arith.constant 512 : index
    %swap3A_645 = tpu.vector_load %arg8[%swap3A_644] {strides = array<i32>} : memref<816xi32, #tpu.memory_space<vmem>>, vector<16xi32>,
    %swap3A_646 = vector.shape_cast %swap3A_645 : vector<16xi32> to vector<16xi32>
    %swap3A_647 = vector.shape_cast %add3A_643 : vector<16xi32> to vector<16xi32>
    tpu.vector_store %arg8[%swap3A_644], %swap3A_647 {strides = array<i32>} : memref<816xi32, #tpu.memory_space<vmem>>, vector<16xi32>,
    %add3A_648 = arith.constant 524288 : i32
    %add3A_649 = vector.broadcast %add3A_648 : i32 to vector<16xi32>
    %add3A_650 = arith.addi %max3A_633, %add3A_649 : vector<16xi32>
    %swap3A_651 = arith.constant 784 : index
    %swap3A_652 = tpu.vector_load %arg8[%swap3A_651] {strides = array<i32>} : memref<816xi32, #tpu.memory_space<vmem>>, vector<16xi32>,
    %swap3A_653 = vector.shape_cast %swap3A_652 : vector<16xi32> to vector<16xi32>
    %swap3A_654 = vector.shape_cast %add3A_650 : vector<16xi32> to vector<16xi32>
    tpu.vector_store %arg8[%swap3A_651], %swap3A_654 {strides = array<i32>} : memref<816xi32, #tpu.memory_space<vmem>>, vector<16xi32>,
    %gt3A_655 = arith.constant 0 : i32
    %gt3A_656 = vector.broadcast %gt3A_655 : i32 to vector<16xi32>
    %gt3A_657 = arith.cmpi sgt, %get3A_627, %gt3A_656 : vector<16xi32>
    %jit3A_658 = arith.constant 1.000000e+00 : f32
    %jit3A_659 = arith.constant 0.000000e+00 : f32
    %broadcast_in_dim3A_660 = vector.broadcast %jit3A_658 : f32 to vector<16xf32>
    %broadcast_in_dim3A_661 = vector.broadcast %jit3A_659 : f32 to vector<16xf32>
    %select_n3A_662 = arith.select %gt3A_657, %broadcast_in_dim3A_660, %broadcast_in_dim3A_661 : vector<16xi1>, vector<16xf32>
    %swap3A_663 = arith.constant 240 : index
    %swap3A_664 = tpu.vector_load %arg9[%swap3A_663] {strides = array<i32>} : memref<272xf32, #tpu.memory_space<vmem>>, vector<16xf32>,
    %swap3A_665 = vector.shape_cast %swap3A_664 : vector<16xf32> to vector<16xf32>
    %swap3A_666 = vector.shape_cast %select_n3A_662 : vector<16xf32> to vector<16xf32>
    tpu.vector_store %arg9[%swap3A_663], %swap3A_666 {strides = array<i32>} : memref<272xf32, #tpu.memory_space<vmem>>, vector<16xf32>,
    %get3A_667 = arith.constant 256 : index
    %get3A_668 = tpu.vector_load %arg7[%get3A_667] {strides = array<i32>} : memref<272xi32, #tpu.memory_space<vmem>>, vector<16xi32>,
    %get3A_669 = vector.shape_cast %get3A_668 : vector<16xi32> to vector<16xi32>
    %sub3A_670 = arith.constant 1 : i32
    %sub3A_671 = vector.broadcast %sub3A_670 : i32 to vector<16xi32>
    %sub3A_672 = arith.subi %get3A_669, %sub3A_671 : vector<16xi32>
    %max3A_673 = arith.constant 0 : i32
    %max3A_674 = vector.broadcast %max3A_673 : i32 to vector<16xi32>
    %max3A_675 = arith.maxsi %sub3A_672, %max3A_674 : vector<16xi32>
    %add3A_676 = arith.constant 0 : i32
    %add3A_677 = vector.broadcast %add3A_676 : i32 to vector<16xi32>
    %add3A_678 = arith.addi %max3A_675, %add3A_677 : vector<16xi32>
    %swap3A_679 = arith.constant 256 : index
    %swap3A_680 = tpu.vector_load %arg8[%swap3A_679] {strides = array<i32>} : memref<816xi32, #tpu.memory_space<vmem>>, vector<16xi32>,
    %swap3A_681 = vector.shape_cast %swap3A_680 : vector<16xi32> to vector<16xi32>
    %swap3A_682 = vector.shape_cast %add3A_678 : vector<16xi32> to vector<16xi32>
    tpu.vector_store %arg8[%swap3A_679], %swap3A_682 {strides = array<i32>} : memref<816xi32, #tpu.memory_space<vmem>>, vector<16xi32>,
    %add3A_683 = arith.constant 262144 : i32
    %add3A_684 = vector.broadcast %add3A_683 : i32 to vector<16xi32>
    %add3A_685 = arith.addi %max3A_675, %add3A_684 : vector<16xi32>
    %swap3A_686 = arith.constant 528 : index
    %swap3A_687 = tpu.vector_load %arg8[%swap3A_686] {strides = array<i32>} : memref<816xi32, #tpu.memory_space<vmem>>, vector<16xi32>,
    %swap3A_688 = vector.shape_cast %swap3A_687 : vector<16xi32> to vector<16xi32>
    %swap3A_689 = vector.shape_cast %add3A_685 : vector<16xi32> to vector<16xi32>
    tpu.vector_store %arg8[%swap3A_686], %swap3A_689 {strides = array<i32>} : memref<816xi32, #tpu.memory_space<vmem>>, vector<16xi32>,
    %add3A_690 = arith.constant 524288 : i32
    %add3A_691 = vector.broadcast %add3A_690 : i32 to vector<16xi32>
    %add3A_692 = arith.addi %max3A_675, %add3A_691 : vector<16xi32>
    %swap3A_693 = arith.constant 800 : index
    %swap3A_694 = tpu.vector_load %arg8[%swap3A_693] {strides = array<i32>} : memref<816xi32, #tpu.memory_space<vmem>>, vector<16xi32>,
    %swap3A_695 = vector.shape_cast %swap3A_694 : vector<16xi32> to vector<16xi32>
    %swap3A_696 = vector.shape_cast %add3A_692 : vector<16xi32> to vector<16xi32>
    tpu.vector_store %arg8[%swap3A_693], %swap3A_696 {strides = array<i32>} : memref<816xi32, #tpu.memory_space<vmem>>, vector<16xi32>,
    %gt3A_697 = arith.constant 0 : i32
    %gt3A_698 = vector.broadcast %gt3A_697 : i32 to vector<16xi32>
    %gt3A_699 = arith.cmpi sgt, %get3A_669, %gt3A_698 : vector<16xi32>
    %jit3A_700 = arith.constant 1.000000e+00 : f32
    %jit3A_701 = arith.constant 0.000000e+00 : f32
    %broadcast_in_dim3A_702 = vector.broadcast %jit3A_700 : f32 to vector<16xf32>
    %broadcast_in_dim3A_703 = vector.broadcast %jit3A_701 : f32 to vector<16xf32>
    %select_n3A_704 = arith.select %gt3A_699, %broadcast_in_dim3A_702, %broadcast_in_dim3A_703 : vector<16xi1>, vector<16xf32>
    %swap3A_705 = arith.constant 256 : index
    %swap3A_706 = tpu.vector_load %arg9[%swap3A_705] {strides = array<i32>} : memref<272xf32, #tpu.memory_space<vmem>>, vector<16xf32>,
    %swap3A_707 = vector.shape_cast %swap3A_706 : vector<16xf32> to vector<16xf32>
    %swap3A_708 = vector.shape_cast %select_n3A_704 : vector<16xf32> to vector<16xf32>
    tpu.vector_store %arg9[%swap3A_705], %swap3A_708 {strides = array<i32>} : memref<272xf32, #tpu.memory_space<vmem>>, vector<16xf32>,
    %dma_start3A = arith.constant 0 : i32
    %dma_start3A_709 = tpu.memref_slice %arg2[%dma_start3A] : memref<786432xf32, #tpu.memory_space<hbm>> -> memref<786432xf32, #tpu.memory_space<hbm>>
    tpu.enqueue_indirect_dma source(%dma_start3A_709 : memref<786432xf32, #tpu.memory_space<hbm>>) target(%arg10 : memref<816xf32, #tpu.memory_space<vmem>>) offsets(%arg8 : memref<816xi32, #tpu.memory_space<vmem>>) semaphore(%arg12 : memref<!tpu.dma_semaphore, #tpu.memory_space<semaphore_mem>>)
    %dma_wait3A = arith.constant 0 : i32
    %dma_wait3A_710 = tpu.memref_slice %arg2[%dma_wait3A] : memref<786432xf32, #tpu.memory_space<hbm>> -> memref<786432xf32, #tpu.memory_space<hbm>>
    tpu.wait_indirect_dma semaphore(%arg12 : memref<!tpu.dma_semaphore, #tpu.memory_space<semaphore_mem>>) src(%dma_wait3A_710 : memref<786432xf32, #tpu.memory_space<hbm>>) dst(%arg10 : memref<816xf32, #tpu.memory_space<vmem>>)
    %get3A_711 = arith.constant 0 : index
    %get3A_712 = tpu.vector_load %arg9[%get3A_711] {strides = array<i32>} : memref<272xf32, #tpu.memory_space<vmem>>, vector<16xf32>,
    %get3A_713 = vector.shape_cast %get3A_712 : vector<16xf32> to vector<16xf32>
    %get3A_714 = arith.constant 1 : index
    %get3A_715 = tpu.vector_load %arg9[%get3A_714] {strides = array<i32>} : memref<272xf32, #tpu.memory_space<vmem>>, vector<16xf32>,
    %get3A_716 = vector.shape_cast %get3A_715 : vector<16xf32> to vector<16xf32>
    %get3A_717 = arith.constant 0 : index
    %get3A_718 = tpu.vector_load %arg10[%get3A_717] {strides = array<i32>} : memref<816xf32, #tpu.memory_space<vmem>>, vector<16xf32>,
    %get3A_719 = vector.shape_cast %get3A_718 : vector<16xf32> to vector<16xf32>
    %mul3A_720 = arith.mulf %get3A_719, %get3A_713 : vector<16xf32>
    %get3A_721 = arith.constant 1 : index
    %get3A_722 = tpu.vector_load %arg10[%get3A_721] {strides = array<i32>} : memref<816xf32, #tpu.memory_space<vmem>>, vector<16xf32>,
    %get3A_723 = vector.shape_cast %get3A_722 : vector<16xf32> to vector<16xf32>
    %mul3A_724 = arith.mulf %get3A_723, %get3A_716 : vector<16xf32>
    %sub3A_725 = arith.subf %mul3A_724, %mul3A_720 : vector<16xf32>
    %swap3A_726 = arith.constant 0 : index
    %swap3A_727 = tpu.vector_load %arg11[%swap3A_726] {strides = array<i32>} : memref<256xf32, #tpu.memory_space<vmem>>, vector<16xf32>,
    %swap3A_728 = vector.shape_cast %swap3A_727 : vector<16xf32> to vector<16xf32>
    %swap3A_729 = vector.shape_cast %sub3A_725 : vector<16xf32> to vector<16xf32>
    tpu.vector_store %arg11[%swap3A_726], %swap3A_729 {strides = array<i32>} : memref<256xf32, #tpu.memory_space<vmem>>, vector<16xf32>,
    %get3A_730 = arith.constant 16 : index
    %get3A_731 = tpu.vector_load %arg9[%get3A_730] {strides = array<i32>} : memref<272xf32, #tpu.memory_space<vmem>>, vector<16xf32>,
    %get3A_732 = vector.shape_cast %get3A_731 : vector<16xf32> to vector<16xf32>
    %get3A_733 = arith.constant 17 : index
    %get3A_734 = tpu.vector_load %arg9[%get3A_733] {strides = array<i32>} : memref<272xf32, #tpu.memory_space<vmem>>, vector<16xf32>,
    %get3A_735 = vector.shape_cast %get3A_734 : vector<16xf32> to vector<16xf32>
    %get3A_736 = arith.constant 16 : index
    %get3A_737 = tpu.vector_load %arg10[%get3A_736] {strides = array<i32>} : memref<816xf32, #tpu.memory_space<vmem>>, vector<16xf32>,
    %get3A_738 = vector.shape_cast %get3A_737 : vector<16xf32> to vector<16xf32>
    %mul3A_739 = arith.mulf %get3A_738, %get3A_732 : vector<16xf32>
    %get3A_740 = arith.constant 17 : index
    %get3A_741 = tpu.vector_load %arg10[%get3A_740] {strides = array<i32>} : memref<816xf32, #tpu.memory_space<vmem>>, vector<16xf32>,
    %get3A_742 = vector.shape_cast %get3A_741 : vector<16xf32> to vector<16xf32>
    %mul3A_743 = arith.mulf %get3A_742, %get3A_735 : vector<16xf32>
    %sub3A_744 = arith.subf %mul3A_743, %mul3A_739 : vector<16xf32>
    %swap3A_745 = arith.constant 16 : index
    %swap3A_746 = tpu.vector_load %arg11[%swap3A_745] {strides = array<i32>} : memref<256xf32, #tpu.memory_space<vmem>>, vector<16xf32>,
    %swap3A_747 = vector.shape_cast %swap3A_746 : vector<16xf32> to vector<16xf32>
    %swap3A_748 = vector.shape_cast %sub3A_744 : vector<16xf32> to vector<16xf32>
    tpu.vector_store %arg11[%swap3A_745], %swap3A_748 {strides = array<i32>} : memref<256xf32, #tpu.memory_space<vmem>>, vector<16xf32>,
    %get3A_749 = arith.constant 32 : index
    %get3A_750 = tpu.vector_load %arg9[%get3A_749] {strides = array<i32>} : memref<272xf32, #tpu.memory_space<vmem>>, vector<16xf32>,
    %get3A_751 = vector.shape_cast %get3A_750 : vector<16xf32> to vector<16xf32>
    %get3A_752 = arith.constant 33 : index
    %get3A_753 = tpu.vector_load %arg9[%get3A_752] {strides = array<i32>} : memref<272xf32, #tpu.memory_space<vmem>>, vector<16xf32>,
    %get3A_754 = vector.shape_cast %get3A_753 : vector<16xf32> to vector<16xf32>
    %get3A_755 = arith.constant 32 : index
    %get3A_756 = tpu.vector_load %arg10[%get3A_755] {strides = array<i32>} : memref<816xf32, #tpu.memory_space<vmem>>, vector<16xf32>,
    %get3A_757 = vector.shape_cast %get3A_756 : vector<16xf32> to vector<16xf32>
    %mul3A_758 = arith.mulf %get3A_757, %get3A_751 : vector<16xf32>
    %get3A_759 = arith.constant 33 : index
    %get3A_760 = tpu.vector_load %arg10[%get3A_759] {strides = array<i32>} : memref<816xf32, #tpu.memory_space<vmem>>, vector<16xf32>,
    %get3A_761 = vector.shape_cast %get3A_760 : vector<16xf32> to vector<16xf32>
    %mul3A_762 = arith.mulf %get3A_761, %get3A_754 : vector<16xf32>
    %sub3A_763 = arith.subf %mul3A_762, %mul3A_758 : vector<16xf32>
    %swap3A_764 = arith.constant 32 : index
    %swap3A_765 = tpu.vector_load %arg11[%swap3A_764] {strides = array<i32>} : memref<256xf32, #tpu.memory_space<vmem>>, vector<16xf32>,
    %swap3A_766 = vector.shape_cast %swap3A_765 : vector<16xf32> to vector<16xf32>
    %swap3A_767 = vector.shape_cast %sub3A_763 : vector<16xf32> to vector<16xf32>
    tpu.vector_store %arg11[%swap3A_764], %swap3A_767 {strides = array<i32>} : memref<256xf32, #tpu.memory_space<vmem>>, vector<16xf32>,
    %get3A_768 = arith.constant 48 : index
    %get3A_769 = tpu.vector_load %arg9[%get3A_768] {strides = array<i32>} : memref<272xf32, #tpu.memory_space<vmem>>, vector<16xf32>,
    %get3A_770 = vector.shape_cast %get3A_769 : vector<16xf32> to vector<16xf32>
    %get3A_771 = arith.constant 49 : index
    %get3A_772 = tpu.vector_load %arg9[%get3A_771] {strides = array<i32>} : memref<272xf32, #tpu.memory_space<vmem>>, vector<16xf32>,
    %get3A_773 = vector.shape_cast %get3A_772 : vector<16xf32> to vector<16xf32>
    %get3A_774 = arith.constant 48 : index
    %get3A_775 = tpu.vector_load %arg10[%get3A_774] {strides = array<i32>} : memref<816xf32, #tpu.memory_space<vmem>>, vector<16xf32>,
    %get3A_776 = vector.shape_cast %get3A_775 : vector<16xf32> to vector<16xf32>
    %mul3A_777 = arith.mulf %get3A_776, %get3A_770 : vector<16xf32>
    %get3A_778 = arith.constant 49 : index
    %get3A_779 = tpu.vector_load %arg10[%get3A_778] {strides = array<i32>} : memref<816xf32, #tpu.memory_space<vmem>>, vector<16xf32>,
    %get3A_780 = vector.shape_cast %get3A_779 : vector<16xf32> to vector<16xf32>
    %mul3A_781 = arith.mulf %get3A_780, %get3A_773 : vector<16xf32>
    %sub3A_782 = arith.subf %mul3A_781, %mul3A_777 : vector<16xf32>
    %swap3A_783 = arith.constant 48 : index
    %swap3A_784 = tpu.vector_load %arg11[%swap3A_783] {strides = array<i32>} : memref<256xf32, #tpu.memory_space<vmem>>, vector<16xf32>,
    %swap3A_785 = vector.shape_cast %swap3A_784 : vector<16xf32> to vector<16xf32>
    %swap3A_786 = vector.shape_cast %sub3A_782 : vector<16xf32> to vector<16xf32>
    tpu.vector_store %arg11[%swap3A_783], %swap3A_786 {strides = array<i32>} : memref<256xf32, #tpu.memory_space<vmem>>, vector<16xf32>,
    %get3A_787 = arith.constant 64 : index
    %get3A_788 = tpu.vector_load %arg9[%get3A_787] {strides = array<i32>} : memref<272xf32, #tpu.memory_space<vmem>>, vector<16xf32>,
    %get3A_789 = vector.shape_cast %get3A_788 : vector<16xf32> to vector<16xf32>
    %get3A_790 = arith.constant 65 : index
    %get3A_791 = tpu.vector_load %arg9[%get3A_790] {strides = array<i32>} : memref<272xf32, #tpu.memory_space<vmem>>, vector<16xf32>,
    %get3A_792 = vector.shape_cast %get3A_791 : vector<16xf32> to vector<16xf32>
    %get3A_793 = arith.constant 64 : index
    %get3A_794 = tpu.vector_load %arg10[%get3A_793] {strides = array<i32>} : memref<816xf32, #tpu.memory_space<vmem>>, vector<16xf32>,
    %get3A_795 = vector.shape_cast %get3A_794 : vector<16xf32> to vector<16xf32>
    %mul3A_796 = arith.mulf %get3A_795, %get3A_789 : vector<16xf32>
    %get3A_797 = arith.constant 65 : index
    %get3A_798 = tpu.vector_load %arg10[%get3A_797] {strides = array<i32>} : memref<816xf32, #tpu.memory_space<vmem>>, vector<16xf32>,
    %get3A_799 = vector.shape_cast %get3A_798 : vector<16xf32> to vector<16xf32>
    %mul3A_800 = arith.mulf %get3A_799, %get3A_792 : vector<16xf32>
    %sub3A_801 = arith.subf %mul3A_800, %mul3A_796 : vector<16xf32>
    %swap3A_802 = arith.constant 64 : index
    %swap3A_803 = tpu.vector_load %arg11[%swap3A_802] {strides = array<i32>} : memref<256xf32, #tpu.memory_space<vmem>>, vector<16xf32>,
    %swap3A_804 = vector.shape_cast %swap3A_803 : vector<16xf32> to vector<16xf32>
    %swap3A_805 = vector.shape_cast %sub3A_801 : vector<16xf32> to vector<16xf32>
    tpu.vector_store %arg11[%swap3A_802], %swap3A_805 {strides = array<i32>} : memref<256xf32, #tpu.memory_space<vmem>>, vector<16xf32>,
    %get3A_806 = arith.constant 80 : index
    %get3A_807 = tpu.vector_load %arg9[%get3A_806] {strides = array<i32>} : memref<272xf32, #tpu.memory_space<vmem>>, vector<16xf32>,
    %get3A_808 = vector.shape_cast %get3A_807 : vector<16xf32> to vector<16xf32>
    %get3A_809 = arith.constant 81 : index
    %get3A_810 = tpu.vector_load %arg9[%get3A_809] {strides = array<i32>} : memref<272xf32, #tpu.memory_space<vmem>>, vector<16xf32>,
    %get3A_811 = vector.shape_cast %get3A_810 : vector<16xf32> to vector<16xf32>
    %get3A_812 = arith.constant 80 : index
    %get3A_813 = tpu.vector_load %arg10[%get3A_812] {strides = array<i32>} : memref<816xf32, #tpu.memory_space<vmem>>, vector<16xf32>,
    %get3A_814 = vector.shape_cast %get3A_813 : vector<16xf32> to vector<16xf32>
    %mul3A_815 = arith.mulf %get3A_814, %get3A_808 : vector<16xf32>
    %get3A_816 = arith.constant 81 : index
    %get3A_817 = tpu.vector_load %arg10[%get3A_816] {strides = array<i32>} : memref<816xf32, #tpu.memory_space<vmem>>, vector<16xf32>,
    %get3A_818 = vector.shape_cast %get3A_817 : vector<16xf32> to vector<16xf32>
    %mul3A_819 = arith.mulf %get3A_818, %get3A_811 : vector<16xf32>
    %sub3A_820 = arith.subf %mul3A_819, %mul3A_815 : vector<16xf32>
    %swap3A_821 = arith.constant 80 : index
    %swap3A_822 = tpu.vector_load %arg11[%swap3A_821] {strides = array<i32>} : memref<256xf32, #tpu.memory_space<vmem>>, vector<16xf32>,
    %swap3A_823 = vector.shape_cast %swap3A_822 : vector<16xf32> to vector<16xf32>
    %swap3A_824 = vector.shape_cast %sub3A_820 : vector<16xf32> to vector<16xf32>
    tpu.vector_store %arg11[%swap3A_821], %swap3A_824 {strides = array<i32>} : memref<256xf32, #tpu.memory_space<vmem>>, vector<16xf32>,
    %get3A_825 = arith.constant 96 : index
    %get3A_826 = tpu.vector_load %arg9[%get3A_825] {strides = array<i32>} : memref<272xf32, #tpu.memory_space<vmem>>, vector<16xf32>,
    %get3A_827 = vector.shape_cast %get3A_826 : vector<16xf32> to vector<16xf32>
    %get3A_828 = arith.constant 97 : index
    %get3A_829 = tpu.vector_load %arg9[%get3A_828] {strides = array<i32>} : memref<272xf32, #tpu.memory_space<vmem>>, vector<16xf32>,
    %get3A_830 = vector.shape_cast %get3A_829 : vector<16xf32> to vector<16xf32>
    %get3A_831 = arith.constant 96 : index
    %get3A_832 = tpu.vector_load %arg10[%get3A_831] {strides = array<i32>} : memref<816xf32, #tpu.memory_space<vmem>>, vector<16xf32>,
    %get3A_833 = vector.shape_cast %get3A_832 : vector<16xf32> to vector<16xf32>
    %mul3A_834 = arith.mulf %get3A_833, %get3A_827 : vector<16xf32>
    %get3A_835 = arith.constant 97 : index
    %get3A_836 = tpu.vector_load %arg10[%get3A_835] {strides = array<i32>} : memref<816xf32, #tpu.memory_space<vmem>>, vector<16xf32>,
    %get3A_837 = vector.shape_cast %get3A_836 : vector<16xf32> to vector<16xf32>
    %mul3A_838 = arith.mulf %get3A_837, %get3A_830 : vector<16xf32>
    %sub3A_839 = arith.subf %mul3A_838, %mul3A_834 : vector<16xf32>
    %swap3A_840 = arith.constant 96 : index
    %swap3A_841 = tpu.vector_load %arg11[%swap3A_840] {strides = array<i32>} : memref<256xf32, #tpu.memory_space<vmem>>, vector<16xf32>,
    %swap3A_842 = vector.shape_cast %swap3A_841 : vector<16xf32> to vector<16xf32>
    %swap3A_843 = vector.shape_cast %sub3A_839 : vector<16xf32> to vector<16xf32>
    tpu.vector_store %arg11[%swap3A_840], %swap3A_843 {strides = array<i32>} : memref<256xf32, #tpu.memory_space<vmem>>, vector<16xf32>,
    %get3A_844 = arith.constant 112 : index
    %get3A_845 = tpu.vector_load %arg9[%get3A_844] {strides = array<i32>} : memref<272xf32, #tpu.memory_space<vmem>>, vector<16xf32>,
    %get3A_846 = vector.shape_cast %get3A_845 : vector<16xf32> to vector<16xf32>
    %get3A_847 = arith.constant 113 : index
    %get3A_848 = tpu.vector_load %arg9[%get3A_847] {strides = array<i32>} : memref<272xf32, #tpu.memory_space<vmem>>, vector<16xf32>,
    %get3A_849 = vector.shape_cast %get3A_848 : vector<16xf32> to vector<16xf32>
    %get3A_850 = arith.constant 112 : index
    %get3A_851 = tpu.vector_load %arg10[%get3A_850] {strides = array<i32>} : memref<816xf32, #tpu.memory_space<vmem>>, vector<16xf32>,
    %get3A_852 = vector.shape_cast %get3A_851 : vector<16xf32> to vector<16xf32>
    %mul3A_853 = arith.mulf %get3A_852, %get3A_846 : vector<16xf32>
    %get3A_854 = arith.constant 113 : index
    %get3A_855 = tpu.vector_load %arg10[%get3A_854] {strides = array<i32>} : memref<816xf32, #tpu.memory_space<vmem>>, vector<16xf32>,
    %get3A_856 = vector.shape_cast %get3A_855 : vector<16xf32> to vector<16xf32>
    %mul3A_857 = arith.mulf %get3A_856, %get3A_849 : vector<16xf32>
    %sub3A_858 = arith.subf %mul3A_857, %mul3A_853 : vector<16xf32>
    %swap3A_859 = arith.constant 112 : index
    %swap3A_860 = tpu.vector_load %arg11[%swap3A_859] {strides = array<i32>} : memref<256xf32, #tpu.memory_space<vmem>>, vector<16xf32>,
    %swap3A_861 = vector.shape_cast %swap3A_860 : vector<16xf32> to vector<16xf32>
    %swap3A_862 = vector.shape_cast %sub3A_858 : vector<16xf32> to vector<16xf32>
    tpu.vector_store %arg11[%swap3A_859], %swap3A_862 {strides = array<i32>} : memref<256xf32, #tpu.memory_space<vmem>>, vector<16xf32>,
    %get3A_863 = arith.constant 128 : index
    %get3A_864 = tpu.vector_load %arg9[%get3A_863] {strides = array<i32>} : memref<272xf32, #tpu.memory_space<vmem>>, vector<16xf32>,
    %get3A_865 = vector.shape_cast %get3A_864 : vector<16xf32> to vector<16xf32>
    %get3A_866 = arith.constant 129 : index
    %get3A_867 = tpu.vector_load %arg9[%get3A_866] {strides = array<i32>} : memref<272xf32, #tpu.memory_space<vmem>>, vector<16xf32>,
    %get3A_868 = vector.shape_cast %get3A_867 : vector<16xf32> to vector<16xf32>
    %get3A_869 = arith.constant 128 : index
    %get3A_870 = tpu.vector_load %arg10[%get3A_869] {strides = array<i32>} : memref<816xf32, #tpu.memory_space<vmem>>, vector<16xf32>,
    %get3A_871 = vector.shape_cast %get3A_870 : vector<16xf32> to vector<16xf32>
    %mul3A_872 = arith.mulf %get3A_871, %get3A_865 : vector<16xf32>
    %get3A_873 = arith.constant 129 : index
    %get3A_874 = tpu.vector_load %arg10[%get3A_873] {strides = array<i32>} : memref<816xf32, #tpu.memory_space<vmem>>, vector<16xf32>,
    %get3A_875 = vector.shape_cast %get3A_874 : vector<16xf32> to vector<16xf32>
    %mul3A_876 = arith.mulf %get3A_875, %get3A_868 : vector<16xf32>
    %sub3A_877 = arith.subf %mul3A_876, %mul3A_872 : vector<16xf32>
    %swap3A_878 = arith.constant 128 : index
    %swap3A_879 = tpu.vector_load %arg11[%swap3A_878] {strides = array<i32>} : memref<256xf32, #tpu.memory_space<vmem>>, vector<16xf32>,
    %swap3A_880 = vector.shape_cast %swap3A_879 : vector<16xf32> to vector<16xf32>
    %swap3A_881 = vector.shape_cast %sub3A_877 : vector<16xf32> to vector<16xf32>
    tpu.vector_store %arg11[%swap3A_878], %swap3A_881 {strides = array<i32>} : memref<256xf32, #tpu.memory_space<vmem>>, vector<16xf32>,
    %get3A_882 = arith.constant 144 : index
    %get3A_883 = tpu.vector_load %arg9[%get3A_882] {strides = array<i32>} : memref<272xf32, #tpu.memory_space<vmem>>, vector<16xf32>,
    %get3A_884 = vector.shape_cast %get3A_883 : vector<16xf32> to vector<16xf32>
    %get3A_885 = arith.constant 145 : index
    %get3A_886 = tpu.vector_load %arg9[%get3A_885] {strides = array<i32>} : memref<272xf32, #tpu.memory_space<vmem>>, vector<16xf32>,
    %get3A_887 = vector.shape_cast %get3A_886 : vector<16xf32> to vector<16xf32>
    %get3A_888 = arith.constant 144 : index
    %get3A_889 = tpu.vector_load %arg10[%get3A_888] {strides = array<i32>} : memref<816xf32, #tpu.memory_space<vmem>>, vector<16xf32>,
    %get3A_890 = vector.shape_cast %get3A_889 : vector<16xf32> to vector<16xf32>
    %mul3A_891 = arith.mulf %get3A_890, %get3A_884 : vector<16xf32>
    %get3A_892 = arith.constant 145 : index
    %get3A_893 = tpu.vector_load %arg10[%get3A_892] {strides = array<i32>} : memref<816xf32, #tpu.memory_space<vmem>>, vector<16xf32>,
    %get3A_894 = vector.shape_cast %get3A_893 : vector<16xf32> to vector<16xf32>
    %mul3A_895 = arith.mulf %get3A_894, %get3A_887 : vector<16xf32>
    %sub3A_896 = arith.subf %mul3A_895, %mul3A_891 : vector<16xf32>
    %swap3A_897 = arith.constant 144 : index
    %swap3A_898 = tpu.vector_load %arg11[%swap3A_897] {strides = array<i32>} : memref<256xf32, #tpu.memory_space<vmem>>, vector<16xf32>,
    %swap3A_899 = vector.shape_cast %swap3A_898 : vector<16xf32> to vector<16xf32>
    %swap3A_900 = vector.shape_cast %sub3A_896 : vector<16xf32> to vector<16xf32>
    tpu.vector_store %arg11[%swap3A_897], %swap3A_900 {strides = array<i32>} : memref<256xf32, #tpu.memory_space<vmem>>, vector<16xf32>,
    %get3A_901 = arith.constant 160 : index
    %get3A_902 = tpu.vector_load %arg9[%get3A_901] {strides = array<i32>} : memref<272xf32, #tpu.memory_space<vmem>>, vector<16xf32>,
    %get3A_903 = vector.shape_cast %get3A_902 : vector<16xf32> to vector<16xf32>
    %get3A_904 = arith.constant 161 : index
    %get3A_905 = tpu.vector_load %arg9[%get3A_904] {strides = array<i32>} : memref<272xf32, #tpu.memory_space<vmem>>, vector<16xf32>,
    %get3A_906 = vector.shape_cast %get3A_905 : vector<16xf32> to vector<16xf32>
    %get3A_907 = arith.constant 160 : index
    %get3A_908 = tpu.vector_load %arg10[%get3A_907] {strides = array<i32>} : memref<816xf32, #tpu.memory_space<vmem>>, vector<16xf32>,
    %get3A_909 = vector.shape_cast %get3A_908 : vector<16xf32> to vector<16xf32>
    %mul3A_910 = arith.mulf %get3A_909, %get3A_903 : vector<16xf32>
    %get3A_911 = arith.constant 161 : index
    %get3A_912 = tpu.vector_load %arg10[%get3A_911] {strides = array<i32>} : memref<816xf32, #tpu.memory_space<vmem>>, vector<16xf32>,
    %get3A_913 = vector.shape_cast %get3A_912 : vector<16xf32> to vector<16xf32>
    %mul3A_914 = arith.mulf %get3A_913, %get3A_906 : vector<16xf32>
    %sub3A_915 = arith.subf %mul3A_914, %mul3A_910 : vector<16xf32>
    %swap3A_916 = arith.constant 160 : index
    %swap3A_917 = tpu.vector_load %arg11[%swap3A_916] {strides = array<i32>} : memref<256xf32, #tpu.memory_space<vmem>>, vector<16xf32>,
    %swap3A_918 = vector.shape_cast %swap3A_917 : vector<16xf32> to vector<16xf32>
    %swap3A_919 = vector.shape_cast %sub3A_915 : vector<16xf32> to vector<16xf32>
    tpu.vector_store %arg11[%swap3A_916], %swap3A_919 {strides = array<i32>} : memref<256xf32, #tpu.memory_space<vmem>>, vector<16xf32>,
    %get3A_920 = arith.constant 176 : index
    %get3A_921 = tpu.vector_load %arg9[%get3A_920] {strides = array<i32>} : memref<272xf32, #tpu.memory_space<vmem>>, vector<16xf32>,
    %get3A_922 = vector.shape_cast %get3A_921 : vector<16xf32> to vector<16xf32>
    %get3A_923 = arith.constant 177 : index
    %get3A_924 = tpu.vector_load %arg9[%get3A_923] {strides = array<i32>} : memref<272xf32, #tpu.memory_space<vmem>>, vector<16xf32>,
    %get3A_925 = vector.shape_cast %get3A_924 : vector<16xf32> to vector<16xf32>
    %get3A_926 = arith.constant 176 : index
    %get3A_927 = tpu.vector_load %arg10[%get3A_926] {strides = array<i32>} : memref<816xf32, #tpu.memory_space<vmem>>, vector<16xf32>,
    %get3A_928 = vector.shape_cast %get3A_927 : vector<16xf32> to vector<16xf32>
    %mul3A_929 = arith.mulf %get3A_928, %get3A_922 : vector<16xf32>
    %get3A_930 = arith.constant 177 : index
    %get3A_931 = tpu.vector_load %arg10[%get3A_930] {strides = array<i32>} : memref<816xf32, #tpu.memory_space<vmem>>, vector<16xf32>,
    %get3A_932 = vector.shape_cast %get3A_931 : vector<16xf32> to vector<16xf32>
    %mul3A_933 = arith.mulf %get3A_932, %get3A_925 : vector<16xf32>
    %sub3A_934 = arith.subf %mul3A_933, %mul3A_929 : vector<16xf32>
    %swap3A_935 = arith.constant 176 : index
    %swap3A_936 = tpu.vector_load %arg11[%swap3A_935] {strides = array<i32>} : memref<256xf32, #tpu.memory_space<vmem>>, vector<16xf32>,
    %swap3A_937 = vector.shape_cast %swap3A_936 : vector<16xf32> to vector<16xf32>
    %swap3A_938 = vector.shape_cast %sub3A_934 : vector<16xf32> to vector<16xf32>
    tpu.vector_store %arg11[%swap3A_935], %swap3A_938 {strides = array<i32>} : memref<256xf32, #tpu.memory_space<vmem>>, vector<16xf32>,
    %get3A_939 = arith.constant 192 : index
    %get3A_940 = tpu.vector_load %arg9[%get3A_939] {strides = array<i32>} : memref<272xf32, #tpu.memory_space<vmem>>, vector<16xf32>,
    %get3A_941 = vector.shape_cast %get3A_940 : vector<16xf32> to vector<16xf32>
    %get3A_942 = arith.constant 193 : index
    %get3A_943 = tpu.vector_load %arg9[%get3A_942] {strides = array<i32>} : memref<272xf32, #tpu.memory_space<vmem>>, vector<16xf32>,
    %get3A_944 = vector.shape_cast %get3A_943 : vector<16xf32> to vector<16xf32>
    %get3A_945 = arith.constant 192 : index
    %get3A_946 = tpu.vector_load %arg10[%get3A_945] {strides = array<i32>} : memref<816xf32, #tpu.memory_space<vmem>>, vector<16xf32>,
    %get3A_947 = vector.shape_cast %get3A_946 : vector<16xf32> to vector<16xf32>
    %mul3A_948 = arith.mulf %get3A_947, %get3A_941 : vector<16xf32>
    %get3A_949 = arith.constant 193 : index
    %get3A_950 = tpu.vector_load %arg10[%get3A_949] {strides = array<i32>} : memref<816xf32, #tpu.memory_space<vmem>>, vector<16xf32>,
    %get3A_951 = vector.shape_cast %get3A_950 : vector<16xf32> to vector<16xf32>
    %mul3A_952 = arith.mulf %get3A_951, %get3A_944 : vector<16xf32>
    %sub3A_953 = arith.subf %mul3A_952, %mul3A_948 : vector<16xf32>
    %swap3A_954 = arith.constant 192 : index
    %swap3A_955 = tpu.vector_load %arg11[%swap3A_954] {strides = array<i32>} : memref<256xf32, #tpu.memory_space<vmem>>, vector<16xf32>,
    %swap3A_956 = vector.shape_cast %swap3A_955 : vector<16xf32> to vector<16xf32>
    %swap3A_957 = vector.shape_cast %sub3A_953 : vector<16xf32> to vector<16xf32>
    tpu.vector_store %arg11[%swap3A_954], %swap3A_957 {strides = array<i32>} : memref<256xf32, #tpu.memory_space<vmem>>, vector<16xf32>,
    %get3A_958 = arith.constant 208 : index
    %get3A_959 = tpu.vector_load %arg9[%get3A_958] {strides = array<i32>} : memref<272xf32, #tpu.memory_space<vmem>>, vector<16xf32>,
    %get3A_960 = vector.shape_cast %get3A_959 : vector<16xf32> to vector<16xf32>
    %get3A_961 = arith.constant 209 : index
    %get3A_962 = tpu.vector_load %arg9[%get3A_961] {strides = array<i32>} : memref<272xf32, #tpu.memory_space<vmem>>, vector<16xf32>,
    %get3A_963 = vector.shape_cast %get3A_962 : vector<16xf32> to vector<16xf32>
    %get3A_964 = arith.constant 208 : index
    %get3A_965 = tpu.vector_load %arg10[%get3A_964] {strides = array<i32>} : memref<816xf32, #tpu.memory_space<vmem>>, vector<16xf32>,
    %get3A_966 = vector.shape_cast %get3A_965 : vector<16xf32> to vector<16xf32>
    %mul3A_967 = arith.mulf %get3A_966, %get3A_960 : vector<16xf32>
    %get3A_968 = arith.constant 209 : index
    %get3A_969 = tpu.vector_load %arg10[%get3A_968] {strides = array<i32>} : memref<816xf32, #tpu.memory_space<vmem>>, vector<16xf32>,
    %get3A_970 = vector.shape_cast %get3A_969 : vector<16xf32> to vector<16xf32>
    %mul3A_971 = arith.mulf %get3A_970, %get3A_963 : vector<16xf32>
    %sub3A_972 = arith.subf %mul3A_971, %mul3A_967 : vector<16xf32>
    %swap3A_973 = arith.constant 208 : index
    %swap3A_974 = tpu.vector_load %arg11[%swap3A_973] {strides = array<i32>} : memref<256xf32, #tpu.memory_space<vmem>>, vector<16xf32>,
    %swap3A_975 = vector.shape_cast %swap3A_974 : vector<16xf32> to vector<16xf32>
    %swap3A_976 = vector.shape_cast %sub3A_972 : vector<16xf32> to vector<16xf32>
    tpu.vector_store %arg11[%swap3A_973], %swap3A_976 {strides = array<i32>} : memref<256xf32, #tpu.memory_space<vmem>>, vector<16xf32>,
    %get3A_977 = arith.constant 224 : index
    %get3A_978 = tpu.vector_load %arg9[%get3A_977] {strides = array<i32>} : memref<272xf32, #tpu.memory_space<vmem>>, vector<16xf32>,
    %get3A_979 = vector.shape_cast %get3A_978 : vector<16xf32> to vector<16xf32>
    %get3A_980 = arith.constant 225 : index
    %get3A_981 = tpu.vector_load %arg9[%get3A_980] {strides = array<i32>} : memref<272xf32, #tpu.memory_space<vmem>>, vector<16xf32>,
    %get3A_982 = vector.shape_cast %get3A_981 : vector<16xf32> to vector<16xf32>
    %get3A_983 = arith.constant 224 : index
    %get3A_984 = tpu.vector_load %arg10[%get3A_983] {strides = array<i32>} : memref<816xf32, #tpu.memory_space<vmem>>, vector<16xf32>,
    %get3A_985 = vector.shape_cast %get3A_984 : vector<16xf32> to vector<16xf32>
    %mul3A_986 = arith.mulf %get3A_985, %get3A_979 : vector<16xf32>
    %get3A_987 = arith.constant 225 : index
    %get3A_988 = tpu.vector_load %arg10[%get3A_987] {strides = array<i32>} : memref<816xf32, #tpu.memory_space<vmem>>, vector<16xf32>,
    %get3A_989 = vector.shape_cast %get3A_988 : vector<16xf32> to vector<16xf32>
    %mul3A_990 = arith.mulf %get3A_989, %get3A_982 : vector<16xf32>
    %sub3A_991 = arith.subf %mul3A_990, %mul3A_986 : vector<16xf32>
    %swap3A_992 = arith.constant 224 : index
    %swap3A_993 = tpu.vector_load %arg11[%swap3A_992] {strides = array<i32>} : memref<256xf32, #tpu.memory_space<vmem>>, vector<16xf32>,
    %swap3A_994 = vector.shape_cast %swap3A_993 : vector<16xf32> to vector<16xf32>
    %swap3A_995 = vector.shape_cast %sub3A_991 : vector<16xf32> to vector<16xf32>
    tpu.vector_store %arg11[%swap3A_992], %swap3A_995 {strides = array<i32>} : memref<256xf32, #tpu.memory_space<vmem>>, vector<16xf32>,
    %get3A_996 = arith.constant 240 : index
    %get3A_997 = tpu.vector_load %arg9[%get3A_996] {strides = array<i32>} : memref<272xf32, #tpu.memory_space<vmem>>, vector<16xf32>,
    %get3A_998 = vector.shape_cast %get3A_997 : vector<16xf32> to vector<16xf32>
    %get3A_999 = arith.constant 241 : index
    %get3A_1000 = tpu.vector_load %arg9[%get3A_999] {strides = array<i32>} : memref<272xf32, #tpu.memory_space<vmem>>, vector<16xf32>,
    %get3A_1001 = vector.shape_cast %get3A_1000 : vector<16xf32> to vector<16xf32>
    %get3A_1002 = arith.constant 240 : index
    %get3A_1003 = tpu.vector_load %arg10[%get3A_1002] {strides = array<i32>} : memref<816xf32, #tpu.memory_space<vmem>>, vector<16xf32>,
    %get3A_1004 = vector.shape_cast %get3A_1003 : vector<16xf32> to vector<16xf32>
    %mul3A_1005 = arith.mulf %get3A_1004, %get3A_998 : vector<16xf32>
    %get3A_1006 = arith.constant 241 : index
    %get3A_1007 = tpu.vector_load %arg10[%get3A_1006] {strides = array<i32>} : memref<816xf32, #tpu.memory_space<vmem>>, vector<16xf32>,
    %get3A_1008 = vector.shape_cast %get3A_1007 : vector<16xf32> to vector<16xf32>
    %mul3A_1009 = arith.mulf %get3A_1008, %get3A_1001 : vector<16xf32>
    %sub3A_1010 = arith.subf %mul3A_1009, %mul3A_1005 : vector<16xf32>
    %swap3A_1011 = arith.constant 240 : index
    %swap3A_1012 = tpu.vector_load %arg11[%swap3A_1011] {strides = array<i32>} : memref<256xf32, #tpu.memory_space<vmem>>, vector<16xf32>,
    %swap3A_1013 = vector.shape_cast %swap3A_1012 : vector<16xf32> to vector<16xf32>
    %swap3A_1014 = vector.shape_cast %sub3A_1010 : vector<16xf32> to vector<16xf32>
    tpu.vector_store %arg11[%swap3A_1011], %swap3A_1014 {strides = array<i32>} : memref<256xf32, #tpu.memory_space<vmem>>, vector<16xf32>,
    "tpu.region"() ({
      %run_scoped3A = tpu.sem_alloc : memref<!tpu.dma_semaphore, #tpu.memory_space<semaphore_mem>>
      %dma_start3A_1623 = tpu.memref_slice %arg4[%mul3A_2] : memref<8192xf32, #tpu.memory_space<hbm>> -> memref<256xf32, #tpu.memory_space<hbm>>
      %dma_start3A_1624 = tpu.memref_slice %arg4[%mul3A_2] : memref<8192xf32, #tpu.memory_space<hbm>> -> memref<256xf32, #tpu.memory_space<hbm>>
      tpu.enqueue_dma source(%arg11 : memref<256xf32, #tpu.memory_space<vmem>>) target(%dma_start3A_1624 : memref<256xf32, #tpu.memory_space<hbm>>) target_semaphore(%run_scoped3A : memref<!tpu.dma_semaphore, #tpu.memory_space<semaphore_mem>>)
      %dma_wait3A_1625 = tpu.memref_slice %arg4[%mul3A_2] : memref<8192xf32, #tpu.memory_space<hbm>> -> memref<256xf32, #tpu.memory_space<hbm>>
      %dma_wait3A_1626 = tpu.memref_slice %arg4[%mul3A_2] : memref<8192xf32, #tpu.memory_space<hbm>> -> memref<256xf32, #tpu.memory_space<hbm>>
      tpu.wait_dma2 semaphore(%run_scoped3A : memref<!tpu.dma_semaphore, #tpu.memory_space<semaphore_mem>>) src(%arg11 : memref<256xf32, #tpu.memory_space<vmem>>) dst(%dma_wait3A_1626 : memref<256xf32, #tpu.memory_space<hbm>>)
      tpu.yield
    }) : () -> ()
    %get3A_1015 = arith.constant 0 : index
    %get3A_1016 = tpu.vector_load %arg9[%get3A_1015] {strides = array<i32>} : memref<272xf32, #tpu.memory_space<vmem>>, vector<16xf32>,
    %get3A_1017 = vector.shape_cast %get3A_1016 : vector<16xf32> to vector<16xf32>
    %get3A_1018 = arith.constant 1 : index
    %get3A_1019 = tpu.vector_load %arg9[%get3A_1018] {strides = array<i32>} : memref<272xf32, #tpu.memory_space<vmem>>, vector<16xf32>,
    %get3A_1020 = vector.shape_cast %get3A_1019 : vector<16xf32> to vector<16xf32>
    %get3A_1021 = arith.constant 272 : index
    %get3A_1022 = tpu.vector_load %arg10[%get3A_1021] {strides = array<i32>} : memref<816xf32, #tpu.memory_space<vmem>>, vector<16xf32>,
    %get3A_1023 = vector.shape_cast %get3A_1022 : vector<16xf32> to vector<16xf32>
    %mul3A_1024 = arith.mulf %get3A_1023, %get3A_1017 : vector<16xf32>
    %get3A_1025 = arith.constant 273 : index
    %get3A_1026 = tpu.vector_load %arg10[%get3A_1025] {strides = array<i32>} : memref<816xf32, #tpu.memory_space<vmem>>, vector<16xf32>,
    %get3A_1027 = vector.shape_cast %get3A_1026 : vector<16xf32> to vector<16xf32>
    %mul3A_1028 = arith.mulf %get3A_1027, %get3A_1020 : vector<16xf32>
    %sub3A_1029 = arith.subf %mul3A_1028, %mul3A_1024 : vector<16xf32>
    %swap3A_1030 = arith.constant 0 : index
    %swap3A_1031 = tpu.vector_load %arg11[%swap3A_1030] {strides = array<i32>} : memref<256xf32, #tpu.memory_space<vmem>>, vector<16xf32>,
    %swap3A_1032 = vector.shape_cast %swap3A_1031 : vector<16xf32> to vector<16xf32>
    %swap3A_1033 = vector.shape_cast %sub3A_1029 : vector<16xf32> to vector<16xf32>
    tpu.vector_store %arg11[%swap3A_1030], %swap3A_1033 {strides = array<i32>} : memref<256xf32, #tpu.memory_space<vmem>>, vector<16xf32>,
    %get3A_1034 = arith.constant 16 : index
    %get3A_1035 = tpu.vector_load %arg9[%get3A_1034] {strides = array<i32>} : memref<272xf32, #tpu.memory_space<vmem>>, vector<16xf32>,
    %get3A_1036 = vector.shape_cast %get3A_1035 : vector<16xf32> to vector<16xf32>
    %get3A_1037 = arith.constant 17 : index
    %get3A_1038 = tpu.vector_load %arg9[%get3A_1037] {strides = array<i32>} : memref<272xf32, #tpu.memory_space<vmem>>, vector<16xf32>,
    %get3A_1039 = vector.shape_cast %get3A_1038 : vector<16xf32> to vector<16xf32>
    %get3A_1040 = arith.constant 288 : index
    %get3A_1041 = tpu.vector_load %arg10[%get3A_1040] {strides = array<i32>} : memref<816xf32, #tpu.memory_space<vmem>>, vector<16xf32>,
    %get3A_1042 = vector.shape_cast %get3A_1041 : vector<16xf32> to vector<16xf32>
    %mul3A_1043 = arith.mulf %get3A_1042, %get3A_1036 : vector<16xf32>
    %get3A_1044 = arith.constant 289 : index
    %get3A_1045 = tpu.vector_load %arg10[%get3A_1044] {strides = array<i32>} : memref<816xf32, #tpu.memory_space<vmem>>, vector<16xf32>,
    %get3A_1046 = vector.shape_cast %get3A_1045 : vector<16xf32> to vector<16xf32>
    %mul3A_1047 = arith.mulf %get3A_1046, %get3A_1039 : vector<16xf32>
    %sub3A_1048 = arith.subf %mul3A_1047, %mul3A_1043 : vector<16xf32>
    %swap3A_1049 = arith.constant 16 : index
    %swap3A_1050 = tpu.vector_load %arg11[%swap3A_1049] {strides = array<i32>} : memref<256xf32, #tpu.memory_space<vmem>>, vector<16xf32>,
    %swap3A_1051 = vector.shape_cast %swap3A_1050 : vector<16xf32> to vector<16xf32>
    %swap3A_1052 = vector.shape_cast %sub3A_1048 : vector<16xf32> to vector<16xf32>
    tpu.vector_store %arg11[%swap3A_1049], %swap3A_1052 {strides = array<i32>} : memref<256xf32, #tpu.memory_space<vmem>>, vector<16xf32>,
    %get3A_1053 = arith.constant 32 : index
    %get3A_1054 = tpu.vector_load %arg9[%get3A_1053] {strides = array<i32>} : memref<272xf32, #tpu.memory_space<vmem>>, vector<16xf32>,
    %get3A_1055 = vector.shape_cast %get3A_1054 : vector<16xf32> to vector<16xf32>
    %get3A_1056 = arith.constant 33 : index
    %get3A_1057 = tpu.vector_load %arg9[%get3A_1056] {strides = array<i32>} : memref<272xf32, #tpu.memory_space<vmem>>, vector<16xf32>,
    %get3A_1058 = vector.shape_cast %get3A_1057 : vector<16xf32> to vector<16xf32>
    %get3A_1059 = arith.constant 304 : index
    %get3A_1060 = tpu.vector_load %arg10[%get3A_1059] {strides = array<i32>} : memref<816xf32, #tpu.memory_space<vmem>>, vector<16xf32>,
    %get3A_1061 = vector.shape_cast %get3A_1060 : vector<16xf32> to vector<16xf32>
    %mul3A_1062 = arith.mulf %get3A_1061, %get3A_1055 : vector<16xf32>
    %get3A_1063 = arith.constant 305 : index
    %get3A_1064 = tpu.vector_load %arg10[%get3A_1063] {strides = array<i32>} : memref<816xf32, #tpu.memory_space<vmem>>, vector<16xf32>,
    %get3A_1065 = vector.shape_cast %get3A_1064 : vector<16xf32> to vector<16xf32>
    %mul3A_1066 = arith.mulf %get3A_1065, %get3A_1058 : vector<16xf32>
    %sub3A_1067 = arith.subf %mul3A_1066, %mul3A_1062 : vector<16xf32>
    %swap3A_1068 = arith.constant 32 : index
    %swap3A_1069 = tpu.vector_load %arg11[%swap3A_1068] {strides = array<i32>} : memref<256xf32, #tpu.memory_space<vmem>>, vector<16xf32>,
    %swap3A_1070 = vector.shape_cast %swap3A_1069 : vector<16xf32> to vector<16xf32>
    %swap3A_1071 = vector.shape_cast %sub3A_1067 : vector<16xf32> to vector<16xf32>
    tpu.vector_store %arg11[%swap3A_1068], %swap3A_1071 {strides = array<i32>} : memref<256xf32, #tpu.memory_space<vmem>>, vector<16xf32>,
    %get3A_1072 = arith.constant 48 : index
    %get3A_1073 = tpu.vector_load %arg9[%get3A_1072] {strides = array<i32>} : memref<272xf32, #tpu.memory_space<vmem>>, vector<16xf32>,
    %get3A_1074 = vector.shape_cast %get3A_1073 : vector<16xf32> to vector<16xf32>
    %get3A_1075 = arith.constant 49 : index
    %get3A_1076 = tpu.vector_load %arg9[%get3A_1075] {strides = array<i32>} : memref<272xf32, #tpu.memory_space<vmem>>, vector<16xf32>,
    %get3A_1077 = vector.shape_cast %get3A_1076 : vector<16xf32> to vector<16xf32>
    %get3A_1078 = arith.constant 320 : index
    %get3A_1079 = tpu.vector_load %arg10[%get3A_1078] {strides = array<i32>} : memref<816xf32, #tpu.memory_space<vmem>>, vector<16xf32>,
    %get3A_1080 = vector.shape_cast %get3A_1079 : vector<16xf32> to vector<16xf32>
    %mul3A_1081 = arith.mulf %get3A_1080, %get3A_1074 : vector<16xf32>
    %get3A_1082 = arith.constant 321 : index
    %get3A_1083 = tpu.vector_load %arg10[%get3A_1082] {strides = array<i32>} : memref<816xf32, #tpu.memory_space<vmem>>, vector<16xf32>,
    %get3A_1084 = vector.shape_cast %get3A_1083 : vector<16xf32> to vector<16xf32>
    %mul3A_1085 = arith.mulf %get3A_1084, %get3A_1077 : vector<16xf32>
    %sub3A_1086 = arith.subf %mul3A_1085, %mul3A_1081 : vector<16xf32>
    %swap3A_1087 = arith.constant 48 : index
    %swap3A_1088 = tpu.vector_load %arg11[%swap3A_1087] {strides = array<i32>} : memref<256xf32, #tpu.memory_space<vmem>>, vector<16xf32>,
    %swap3A_1089 = vector.shape_cast %swap3A_1088 : vector<16xf32> to vector<16xf32>
    %swap3A_1090 = vector.shape_cast %sub3A_1086 : vector<16xf32> to vector<16xf32>
    tpu.vector_store %arg11[%swap3A_1087], %swap3A_1090 {strides = array<i32>} : memref<256xf32, #tpu.memory_space<vmem>>, vector<16xf32>,
    %get3A_1091 = arith.constant 64 : index
    %get3A_1092 = tpu.vector_load %arg9[%get3A_1091] {strides = array<i32>} : memref<272xf32, #tpu.memory_space<vmem>>, vector<16xf32>,
    %get3A_1093 = vector.shape_cast %get3A_1092 : vector<16xf32> to vector<16xf32>
    %get3A_1094 = arith.constant 65 : index
    %get3A_1095 = tpu.vector_load %arg9[%get3A_1094] {strides = array<i32>} : memref<272xf32, #tpu.memory_space<vmem>>, vector<16xf32>,
    %get3A_1096 = vector.shape_cast %get3A_1095 : vector<16xf32> to vector<16xf32>
    %get3A_1097 = arith.constant 336 : index
    %get3A_1098 = tpu.vector_load %arg10[%get3A_1097] {strides = array<i32>} : memref<816xf32, #tpu.memory_space<vmem>>, vector<16xf32>,
    %get3A_1099 = vector.shape_cast %get3A_1098 : vector<16xf32> to vector<16xf32>
    %mul3A_1100 = arith.mulf %get3A_1099, %get3A_1093 : vector<16xf32>
    %get3A_1101 = arith.constant 337 : index
    %get3A_1102 = tpu.vector_load %arg10[%get3A_1101] {strides = array<i32>} : memref<816xf32, #tpu.memory_space<vmem>>, vector<16xf32>,
    %get3A_1103 = vector.shape_cast %get3A_1102 : vector<16xf32> to vector<16xf32>
    %mul3A_1104 = arith.mulf %get3A_1103, %get3A_1096 : vector<16xf32>
    %sub3A_1105 = arith.subf %mul3A_1104, %mul3A_1100 : vector<16xf32>
    %swap3A_1106 = arith.constant 64 : index
    %swap3A_1107 = tpu.vector_load %arg11[%swap3A_1106] {strides = array<i32>} : memref<256xf32, #tpu.memory_space<vmem>>, vector<16xf32>,
    %swap3A_1108 = vector.shape_cast %swap3A_1107 : vector<16xf32> to vector<16xf32>
    %swap3A_1109 = vector.shape_cast %sub3A_1105 : vector<16xf32> to vector<16xf32>
    tpu.vector_store %arg11[%swap3A_1106], %swap3A_1109 {strides = array<i32>} : memref<256xf32, #tpu.memory_space<vmem>>, vector<16xf32>,
    %get3A_1110 = arith.constant 80 : index
    %get3A_1111 = tpu.vector_load %arg9[%get3A_1110] {strides = array<i32>} : memref<272xf32, #tpu.memory_space<vmem>>, vector<16xf32>,
    %get3A_1112 = vector.shape_cast %get3A_1111 : vector<16xf32> to vector<16xf32>
    %get3A_1113 = arith.constant 81 : index
    %get3A_1114 = tpu.vector_load %arg9[%get3A_1113] {strides = array<i32>} : memref<272xf32, #tpu.memory_space<vmem>>, vector<16xf32>,
    %get3A_1115 = vector.shape_cast %get3A_1114 : vector<16xf32> to vector<16xf32>
    %get3A_1116 = arith.constant 352 : index
    %get3A_1117 = tpu.vector_load %arg10[%get3A_1116] {strides = array<i32>} : memref<816xf32, #tpu.memory_space<vmem>>, vector<16xf32>,
    %get3A_1118 = vector.shape_cast %get3A_1117 : vector<16xf32> to vector<16xf32>
    %mul3A_1119 = arith.mulf %get3A_1118, %get3A_1112 : vector<16xf32>
    %get3A_1120 = arith.constant 353 : index
    %get3A_1121 = tpu.vector_load %arg10[%get3A_1120] {strides = array<i32>} : memref<816xf32, #tpu.memory_space<vmem>>, vector<16xf32>,
    %get3A_1122 = vector.shape_cast %get3A_1121 : vector<16xf32> to vector<16xf32>
    %mul3A_1123 = arith.mulf %get3A_1122, %get3A_1115 : vector<16xf32>
    %sub3A_1124 = arith.subf %mul3A_1123, %mul3A_1119 : vector<16xf32>
    %swap3A_1125 = arith.constant 80 : index
    %swap3A_1126 = tpu.vector_load %arg11[%swap3A_1125] {strides = array<i32>} : memref<256xf32, #tpu.memory_space<vmem>>, vector<16xf32>,
    %swap3A_1127 = vector.shape_cast %swap3A_1126 : vector<16xf32> to vector<16xf32>
    %swap3A_1128 = vector.shape_cast %sub3A_1124 : vector<16xf32> to vector<16xf32>
    tpu.vector_store %arg11[%swap3A_1125], %swap3A_1128 {strides = array<i32>} : memref<256xf32, #tpu.memory_space<vmem>>, vector<16xf32>,
    %get3A_1129 = arith.constant 96 : index
    %get3A_1130 = tpu.vector_load %arg9[%get3A_1129] {strides = array<i32>} : memref<272xf32, #tpu.memory_space<vmem>>, vector<16xf32>,
    %get3A_1131 = vector.shape_cast %get3A_1130 : vector<16xf32> to vector<16xf32>
    %get3A_1132 = arith.constant 97 : index
    %get3A_1133 = tpu.vector_load %arg9[%get3A_1132] {strides = array<i32>} : memref<272xf32, #tpu.memory_space<vmem>>, vector<16xf32>,
    %get3A_1134 = vector.shape_cast %get3A_1133 : vector<16xf32> to vector<16xf32>
    %get3A_1135 = arith.constant 368 : index
    %get3A_1136 = tpu.vector_load %arg10[%get3A_1135] {strides = array<i32>} : memref<816xf32, #tpu.memory_space<vmem>>, vector<16xf32>,
    %get3A_1137 = vector.shape_cast %get3A_1136 : vector<16xf32> to vector<16xf32>
    %mul3A_1138 = arith.mulf %get3A_1137, %get3A_1131 : vector<16xf32>
    %get3A_1139 = arith.constant 369 : index
    %get3A_1140 = tpu.vector_load %arg10[%get3A_1139] {strides = array<i32>} : memref<816xf32, #tpu.memory_space<vmem>>, vector<16xf32>,
    %get3A_1141 = vector.shape_cast %get3A_1140 : vector<16xf32> to vector<16xf32>
    %mul3A_1142 = arith.mulf %get3A_1141, %get3A_1134 : vector<16xf32>
    %sub3A_1143 = arith.subf %mul3A_1142, %mul3A_1138 : vector<16xf32>
    %swap3A_1144 = arith.constant 96 : index
    %swap3A_1145 = tpu.vector_load %arg11[%swap3A_1144] {strides = array<i32>} : memref<256xf32, #tpu.memory_space<vmem>>, vector<16xf32>,
    %swap3A_1146 = vector.shape_cast %swap3A_1145 : vector<16xf32> to vector<16xf32>
    %swap3A_1147 = vector.shape_cast %sub3A_1143 : vector<16xf32> to vector<16xf32>
    tpu.vector_store %arg11[%swap3A_1144], %swap3A_1147 {strides = array<i32>} : memref<256xf32, #tpu.memory_space<vmem>>, vector<16xf32>,
    %get3A_1148 = arith.constant 112 : index
    %get3A_1149 = tpu.vector_load %arg9[%get3A_1148] {strides = array<i32>} : memref<272xf32, #tpu.memory_space<vmem>>, vector<16xf32>,
    %get3A_1150 = vector.shape_cast %get3A_1149 : vector<16xf32> to vector<16xf32>
    %get3A_1151 = arith.constant 113 : index
    %get3A_1152 = tpu.vector_load %arg9[%get3A_1151] {strides = array<i32>} : memref<272xf32, #tpu.memory_space<vmem>>, vector<16xf32>,
    %get3A_1153 = vector.shape_cast %get3A_1152 : vector<16xf32> to vector<16xf32>
    %get3A_1154 = arith.constant 384 : index
    %get3A_1155 = tpu.vector_load %arg10[%get3A_1154] {strides = array<i32>} : memref<816xf32, #tpu.memory_space<vmem>>, vector<16xf32>,
    %get3A_1156 = vector.shape_cast %get3A_1155 : vector<16xf32> to vector<16xf32>
    %mul3A_1157 = arith.mulf %get3A_1156, %get3A_1150 : vector<16xf32>
    %get3A_1158 = arith.constant 385 : index
    %get3A_1159 = tpu.vector_load %arg10[%get3A_1158] {strides = array<i32>} : memref<816xf32, #tpu.memory_space<vmem>>, vector<16xf32>,
    %get3A_1160 = vector.shape_cast %get3A_1159 : vector<16xf32> to vector<16xf32>
    %mul3A_1161 = arith.mulf %get3A_1160, %get3A_1153 : vector<16xf32>
    %sub3A_1162 = arith.subf %mul3A_1161, %mul3A_1157 : vector<16xf32>
    %swap3A_1163 = arith.constant 112 : index
    %swap3A_1164 = tpu.vector_load %arg11[%swap3A_1163] {strides = array<i32>} : memref<256xf32, #tpu.memory_space<vmem>>, vector<16xf32>,
    %swap3A_1165 = vector.shape_cast %swap3A_1164 : vector<16xf32> to vector<16xf32>
    %swap3A_1166 = vector.shape_cast %sub3A_1162 : vector<16xf32> to vector<16xf32>
    tpu.vector_store %arg11[%swap3A_1163], %swap3A_1166 {strides = array<i32>} : memref<256xf32, #tpu.memory_space<vmem>>, vector<16xf32>,
    %get3A_1167 = arith.constant 128 : index
    %get3A_1168 = tpu.vector_load %arg9[%get3A_1167] {strides = array<i32>} : memref<272xf32, #tpu.memory_space<vmem>>, vector<16xf32>,
    %get3A_1169 = vector.shape_cast %get3A_1168 : vector<16xf32> to vector<16xf32>
    %get3A_1170 = arith.constant 129 : index
    %get3A_1171 = tpu.vector_load %arg9[%get3A_1170] {strides = array<i32>} : memref<272xf32, #tpu.memory_space<vmem>>, vector<16xf32>,
    %get3A_1172 = vector.shape_cast %get3A_1171 : vector<16xf32> to vector<16xf32>
    %get3A_1173 = arith.constant 400 : index
    %get3A_1174 = tpu.vector_load %arg10[%get3A_1173] {strides = array<i32>} : memref<816xf32, #tpu.memory_space<vmem>>, vector<16xf32>,
    %get3A_1175 = vector.shape_cast %get3A_1174 : vector<16xf32> to vector<16xf32>
    %mul3A_1176 = arith.mulf %get3A_1175, %get3A_1169 : vector<16xf32>
    %get3A_1177 = arith.constant 401 : index
    %get3A_1178 = tpu.vector_load %arg10[%get3A_1177] {strides = array<i32>} : memref<816xf32, #tpu.memory_space<vmem>>, vector<16xf32>,
    %get3A_1179 = vector.shape_cast %get3A_1178 : vector<16xf32> to vector<16xf32>
    %mul3A_1180 = arith.mulf %get3A_1179, %get3A_1172 : vector<16xf32>
    %sub3A_1181 = arith.subf %mul3A_1180, %mul3A_1176 : vector<16xf32>
    %swap3A_1182 = arith.constant 128 : index
    %swap3A_1183 = tpu.vector_load %arg11[%swap3A_1182] {strides = array<i32>} : memref<256xf32, #tpu.memory_space<vmem>>, vector<16xf32>,
    %swap3A_1184 = vector.shape_cast %swap3A_1183 : vector<16xf32> to vector<16xf32>
    %swap3A_1185 = vector.shape_cast %sub3A_1181 : vector<16xf32> to vector<16xf32>
    tpu.vector_store %arg11[%swap3A_1182], %swap3A_1185 {strides = array<i32>} : memref<256xf32, #tpu.memory_space<vmem>>, vector<16xf32>,
    %get3A_1186 = arith.constant 144 : index
    %get3A_1187 = tpu.vector_load %arg9[%get3A_1186] {strides = array<i32>} : memref<272xf32, #tpu.memory_space<vmem>>, vector<16xf32>,
    %get3A_1188 = vector.shape_cast %get3A_1187 : vector<16xf32> to vector<16xf32>
    %get3A_1189 = arith.constant 145 : index
    %get3A_1190 = tpu.vector_load %arg9[%get3A_1189] {strides = array<i32>} : memref<272xf32, #tpu.memory_space<vmem>>, vector<16xf32>,
    %get3A_1191 = vector.shape_cast %get3A_1190 : vector<16xf32> to vector<16xf32>
    %get3A_1192 = arith.constant 416 : index
    %get3A_1193 = tpu.vector_load %arg10[%get3A_1192] {strides = array<i32>} : memref<816xf32, #tpu.memory_space<vmem>>, vector<16xf32>,
    %get3A_1194 = vector.shape_cast %get3A_1193 : vector<16xf32> to vector<16xf32>
    %mul3A_1195 = arith.mulf %get3A_1194, %get3A_1188 : vector<16xf32>
    %get3A_1196 = arith.constant 417 : index
    %get3A_1197 = tpu.vector_load %arg10[%get3A_1196] {strides = array<i32>} : memref<816xf32, #tpu.memory_space<vmem>>, vector<16xf32>,
    %get3A_1198 = vector.shape_cast %get3A_1197 : vector<16xf32> to vector<16xf32>
    %mul3A_1199 = arith.mulf %get3A_1198, %get3A_1191 : vector<16xf32>
    %sub3A_1200 = arith.subf %mul3A_1199, %mul3A_1195 : vector<16xf32>
    %swap3A_1201 = arith.constant 144 : index
    %swap3A_1202 = tpu.vector_load %arg11[%swap3A_1201] {strides = array<i32>} : memref<256xf32, #tpu.memory_space<vmem>>, vector<16xf32>,
    %swap3A_1203 = vector.shape_cast %swap3A_1202 : vector<16xf32> to vector<16xf32>
    %swap3A_1204 = vector.shape_cast %sub3A_1200 : vector<16xf32> to vector<16xf32>
    tpu.vector_store %arg11[%swap3A_1201], %swap3A_1204 {strides = array<i32>} : memref<256xf32, #tpu.memory_space<vmem>>, vector<16xf32>,
    %get3A_1205 = arith.constant 160 : index
    %get3A_1206 = tpu.vector_load %arg9[%get3A_1205] {strides = array<i32>} : memref<272xf32, #tpu.memory_space<vmem>>, vector<16xf32>,
    %get3A_1207 = vector.shape_cast %get3A_1206 : vector<16xf32> to vector<16xf32>
    %get3A_1208 = arith.constant 161 : index
    %get3A_1209 = tpu.vector_load %arg9[%get3A_1208] {strides = array<i32>} : memref<272xf32, #tpu.memory_space<vmem>>, vector<16xf32>,
    %get3A_1210 = vector.shape_cast %get3A_1209 : vector<16xf32> to vector<16xf32>
    %get3A_1211 = arith.constant 432 : index
    %get3A_1212 = tpu.vector_load %arg10[%get3A_1211] {strides = array<i32>} : memref<816xf32, #tpu.memory_space<vmem>>, vector<16xf32>,
    %get3A_1213 = vector.shape_cast %get3A_1212 : vector<16xf32> to vector<16xf32>
    %mul3A_1214 = arith.mulf %get3A_1213, %get3A_1207 : vector<16xf32>
    %get3A_1215 = arith.constant 433 : index
    %get3A_1216 = tpu.vector_load %arg10[%get3A_1215] {strides = array<i32>} : memref<816xf32, #tpu.memory_space<vmem>>, vector<16xf32>,
    %get3A_1217 = vector.shape_cast %get3A_1216 : vector<16xf32> to vector<16xf32>
    %mul3A_1218 = arith.mulf %get3A_1217, %get3A_1210 : vector<16xf32>
    %sub3A_1219 = arith.subf %mul3A_1218, %mul3A_1214 : vector<16xf32>
    %swap3A_1220 = arith.constant 160 : index
    %swap3A_1221 = tpu.vector_load %arg11[%swap3A_1220] {strides = array<i32>} : memref<256xf32, #tpu.memory_space<vmem>>, vector<16xf32>,
    %swap3A_1222 = vector.shape_cast %swap3A_1221 : vector<16xf32> to vector<16xf32>
    %swap3A_1223 = vector.shape_cast %sub3A_1219 : vector<16xf32> to vector<16xf32>
    tpu.vector_store %arg11[%swap3A_1220], %swap3A_1223 {strides = array<i32>} : memref<256xf32, #tpu.memory_space<vmem>>, vector<16xf32>,
    %get3A_1224 = arith.constant 176 : index
    %get3A_1225 = tpu.vector_load %arg9[%get3A_1224] {strides = array<i32>} : memref<272xf32, #tpu.memory_space<vmem>>, vector<16xf32>,
    %get3A_1226 = vector.shape_cast %get3A_1225 : vector<16xf32> to vector<16xf32>
    %get3A_1227 = arith.constant 177 : index
    %get3A_1228 = tpu.vector_load %arg9[%get3A_1227] {strides = array<i32>} : memref<272xf32, #tpu.memory_space<vmem>>, vector<16xf32>,
    %get3A_1229 = vector.shape_cast %get3A_1228 : vector<16xf32> to vector<16xf32>
    %get3A_1230 = arith.constant 448 : index
    %get3A_1231 = tpu.vector_load %arg10[%get3A_1230] {strides = array<i32>} : memref<816xf32, #tpu.memory_space<vmem>>, vector<16xf32>,
    %get3A_1232 = vector.shape_cast %get3A_1231 : vector<16xf32> to vector<16xf32>
    %mul3A_1233 = arith.mulf %get3A_1232, %get3A_1226 : vector<16xf32>
    %get3A_1234 = arith.constant 449 : index
    %get3A_1235 = tpu.vector_load %arg10[%get3A_1234] {strides = array<i32>} : memref<816xf32, #tpu.memory_space<vmem>>, vector<16xf32>,
    %get3A_1236 = vector.shape_cast %get3A_1235 : vector<16xf32> to vector<16xf32>
    %mul3A_1237 = arith.mulf %get3A_1236, %get3A_1229 : vector<16xf32>
    %sub3A_1238 = arith.subf %mul3A_1237, %mul3A_1233 : vector<16xf32>
    %swap3A_1239 = arith.constant 176 : index
    %swap3A_1240 = tpu.vector_load %arg11[%swap3A_1239] {strides = array<i32>} : memref<256xf32, #tpu.memory_space<vmem>>, vector<16xf32>,
    %swap3A_1241 = vector.shape_cast %swap3A_1240 : vector<16xf32> to vector<16xf32>
    %swap3A_1242 = vector.shape_cast %sub3A_1238 : vector<16xf32> to vector<16xf32>
    tpu.vector_store %arg11[%swap3A_1239], %swap3A_1242 {strides = array<i32>} : memref<256xf32, #tpu.memory_space<vmem>>, vector<16xf32>,
    %get3A_1243 = arith.constant 192 : index
    %get3A_1244 = tpu.vector_load %arg9[%get3A_1243] {strides = array<i32>} : memref<272xf32, #tpu.memory_space<vmem>>, vector<16xf32>,
    %get3A_1245 = vector.shape_cast %get3A_1244 : vector<16xf32> to vector<16xf32>
    %get3A_1246 = arith.constant 193 : index
    %get3A_1247 = tpu.vector_load %arg9[%get3A_1246] {strides = array<i32>} : memref<272xf32, #tpu.memory_space<vmem>>, vector<16xf32>,
    %get3A_1248 = vector.shape_cast %get3A_1247 : vector<16xf32> to vector<16xf32>
    %get3A_1249 = arith.constant 464 : index
    %get3A_1250 = tpu.vector_load %arg10[%get3A_1249] {strides = array<i32>} : memref<816xf32, #tpu.memory_space<vmem>>, vector<16xf32>,
    %get3A_1251 = vector.shape_cast %get3A_1250 : vector<16xf32> to vector<16xf32>
    %mul3A_1252 = arith.mulf %get3A_1251, %get3A_1245 : vector<16xf32>
    %get3A_1253 = arith.constant 465 : index
    %get3A_1254 = tpu.vector_load %arg10[%get3A_1253] {strides = array<i32>} : memref<816xf32, #tpu.memory_space<vmem>>, vector<16xf32>,
    %get3A_1255 = vector.shape_cast %get3A_1254 : vector<16xf32> to vector<16xf32>
    %mul3A_1256 = arith.mulf %get3A_1255, %get3A_1248 : vector<16xf32>
    %sub3A_1257 = arith.subf %mul3A_1256, %mul3A_1252 : vector<16xf32>
    %swap3A_1258 = arith.constant 192 : index
    %swap3A_1259 = tpu.vector_load %arg11[%swap3A_1258] {strides = array<i32>} : memref<256xf32, #tpu.memory_space<vmem>>, vector<16xf32>,
    %swap3A_1260 = vector.shape_cast %swap3A_1259 : vector<16xf32> to vector<16xf32>
    %swap3A_1261 = vector.shape_cast %sub3A_1257 : vector<16xf32> to vector<16xf32>
    tpu.vector_store %arg11[%swap3A_1258], %swap3A_1261 {strides = array<i32>} : memref<256xf32, #tpu.memory_space<vmem>>, vector<16xf32>,
    %get3A_1262 = arith.constant 208 : index
    %get3A_1263 = tpu.vector_load %arg9[%get3A_1262] {strides = array<i32>} : memref<272xf32, #tpu.memory_space<vmem>>, vector<16xf32>,
    %get3A_1264 = vector.shape_cast %get3A_1263 : vector<16xf32> to vector<16xf32>
    %get3A_1265 = arith.constant 209 : index
    %get3A_1266 = tpu.vector_load %arg9[%get3A_1265] {strides = array<i32>} : memref<272xf32, #tpu.memory_space<vmem>>, vector<16xf32>,
    %get3A_1267 = vector.shape_cast %get3A_1266 : vector<16xf32> to vector<16xf32>
    %get3A_1268 = arith.constant 480 : index
    %get3A_1269 = tpu.vector_load %arg10[%get3A_1268] {strides = array<i32>} : memref<816xf32, #tpu.memory_space<vmem>>, vector<16xf32>,
    %get3A_1270 = vector.shape_cast %get3A_1269 : vector<16xf32> to vector<16xf32>
    %mul3A_1271 = arith.mulf %get3A_1270, %get3A_1264 : vector<16xf32>
    %get3A_1272 = arith.constant 481 : index
    %get3A_1273 = tpu.vector_load %arg10[%get3A_1272] {strides = array<i32>} : memref<816xf32, #tpu.memory_space<vmem>>, vector<16xf32>,
    %get3A_1274 = vector.shape_cast %get3A_1273 : vector<16xf32> to vector<16xf32>
    %mul3A_1275 = arith.mulf %get3A_1274, %get3A_1267 : vector<16xf32>
    %sub3A_1276 = arith.subf %mul3A_1275, %mul3A_1271 : vector<16xf32>
    %swap3A_1277 = arith.constant 208 : index
    %swap3A_1278 = tpu.vector_load %arg11[%swap3A_1277] {strides = array<i32>} : memref<256xf32, #tpu.memory_space<vmem>>, vector<16xf32>,
    %swap3A_1279 = vector.shape_cast %swap3A_1278 : vector<16xf32> to vector<16xf32>
    %swap3A_1280 = vector.shape_cast %sub3A_1276 : vector<16xf32> to vector<16xf32>
    tpu.vector_store %arg11[%swap3A_1277], %swap3A_1280 {strides = array<i32>} : memref<256xf32, #tpu.memory_space<vmem>>, vector<16xf32>,
    %get3A_1281 = arith.constant 224 : index
    %get3A_1282 = tpu.vector_load %arg9[%get3A_1281] {strides = array<i32>} : memref<272xf32, #tpu.memory_space<vmem>>, vector<16xf32>,
    %get3A_1283 = vector.shape_cast %get3A_1282 : vector<16xf32> to vector<16xf32>
    %get3A_1284 = arith.constant 225 : index
    %get3A_1285 = tpu.vector_load %arg9[%get3A_1284] {strides = array<i32>} : memref<272xf32, #tpu.memory_space<vmem>>, vector<16xf32>,
    %get3A_1286 = vector.shape_cast %get3A_1285 : vector<16xf32> to vector<16xf32>
    %get3A_1287 = arith.constant 496 : index
    %get3A_1288 = tpu.vector_load %arg10[%get3A_1287] {strides = array<i32>} : memref<816xf32, #tpu.memory_space<vmem>>, vector<16xf32>,
    %get3A_1289 = vector.shape_cast %get3A_1288 : vector<16xf32> to vector<16xf32>
    %mul3A_1290 = arith.mulf %get3A_1289, %get3A_1283 : vector<16xf32>
    %get3A_1291 = arith.constant 497 : index
    %get3A_1292 = tpu.vector_load %arg10[%get3A_1291] {strides = array<i32>} : memref<816xf32, #tpu.memory_space<vmem>>, vector<16xf32>,
    %get3A_1293 = vector.shape_cast %get3A_1292 : vector<16xf32> to vector<16xf32>
    %mul3A_1294 = arith.mulf %get3A_1293, %get3A_1286 : vector<16xf32>
    %sub3A_1295 = arith.subf %mul3A_1294, %mul3A_1290 : vector<16xf32>
    %swap3A_1296 = arith.constant 224 : index
    %swap3A_1297 = tpu.vector_load %arg11[%swap3A_1296] {strides = array<i32>} : memref<256xf32, #tpu.memory_space<vmem>>, vector<16xf32>,
    %swap3A_1298 = vector.shape_cast %swap3A_1297 : vector<16xf32> to vector<16xf32>
    %swap3A_1299 = vector.shape_cast %sub3A_1295 : vector<16xf32> to vector<16xf32>
    tpu.vector_store %arg11[%swap3A_1296], %swap3A_1299 {strides = array<i32>} : memref<256xf32, #tpu.memory_space<vmem>>, vector<16xf32>,
    %get3A_1300 = arith.constant 240 : index
    %get3A_1301 = tpu.vector_load %arg9[%get3A_1300] {strides = array<i32>} : memref<272xf32, #tpu.memory_space<vmem>>, vector<16xf32>,
    %get3A_1302 = vector.shape_cast %get3A_1301 : vector<16xf32> to vector<16xf32>
    %get3A_1303 = arith.constant 241 : index
    %get3A_1304 = tpu.vector_load %arg9[%get3A_1303] {strides = array<i32>} : memref<272xf32, #tpu.memory_space<vmem>>, vector<16xf32>,
    %get3A_1305 = vector.shape_cast %get3A_1304 : vector<16xf32> to vector<16xf32>
    %get3A_1306 = arith.constant 512 : index
    %get3A_1307 = tpu.vector_load %arg10[%get3A_1306] {strides = array<i32>} : memref<816xf32, #tpu.memory_space<vmem>>, vector<16xf32>,
    %get3A_1308 = vector.shape_cast %get3A_1307 : vector<16xf32> to vector<16xf32>
    %mul3A_1309 = arith.mulf %get3A_1308, %get3A_1302 : vector<16xf32>
    %get3A_1310 = arith.constant 513 : index
    %get3A_1311 = tpu.vector_load %arg10[%get3A_1310] {strides = array<i32>} : memref<816xf32, #tpu.memory_space<vmem>>, vector<16xf32>,
    %get3A_1312 = vector.shape_cast %get3A_1311 : vector<16xf32> to vector<16xf32>
    %mul3A_1313 = arith.mulf %get3A_1312, %get3A_1305 : vector<16xf32>
    %sub3A_1314 = arith.subf %mul3A_1313, %mul3A_1309 : vector<16xf32>
    %swap3A_1315 = arith.constant 240 : index
    %swap3A_1316 = tpu.vector_load %arg11[%swap3A_1315] {strides = array<i32>} : memref<256xf32, #tpu.memory_space<vmem>>, vector<16xf32>,
    %swap3A_1317 = vector.shape_cast %swap3A_1316 : vector<16xf32> to vector<16xf32>
    %swap3A_1318 = vector.shape_cast %sub3A_1314 : vector<16xf32> to vector<16xf32>
    tpu.vector_store %arg11[%swap3A_1315], %swap3A_1318 {strides = array<i32>} : memref<256xf32, #tpu.memory_space<vmem>>, vector<16xf32>,
    "tpu.region"() ({
      %run_scoped3A = tpu.sem_alloc : memref<!tpu.dma_semaphore, #tpu.memory_space<semaphore_mem>>
      %dma_start3A_1623 = tpu.memref_slice %arg5[%mul3A_2] : memref<8192xf32, #tpu.memory_space<hbm>> -> memref<256xf32, #tpu.memory_space<hbm>>
      %dma_start3A_1624 = tpu.memref_slice %arg5[%mul3A_2] : memref<8192xf32, #tpu.memory_space<hbm>> -> memref<256xf32, #tpu.memory_space<hbm>>
      tpu.enqueue_dma source(%arg11 : memref<256xf32, #tpu.memory_space<vmem>>) target(%dma_start3A_1624 : memref<256xf32, #tpu.memory_space<hbm>>) target_semaphore(%run_scoped3A : memref<!tpu.dma_semaphore, #tpu.memory_space<semaphore_mem>>)
      %dma_wait3A_1625 = tpu.memref_slice %arg5[%mul3A_2] : memref<8192xf32, #tpu.memory_space<hbm>> -> memref<256xf32, #tpu.memory_space<hbm>>
      %dma_wait3A_1626 = tpu.memref_slice %arg5[%mul3A_2] : memref<8192xf32, #tpu.memory_space<hbm>> -> memref<256xf32, #tpu.memory_space<hbm>>
      tpu.wait_dma2 semaphore(%run_scoped3A : memref<!tpu.dma_semaphore, #tpu.memory_space<semaphore_mem>>) src(%arg11 : memref<256xf32, #tpu.memory_space<vmem>>) dst(%dma_wait3A_1626 : memref<256xf32, #tpu.memory_space<hbm>>)
      tpu.yield
    }) : () -> ()
    %get3A_1319 = arith.constant 0 : index
    %get3A_1320 = tpu.vector_load %arg9[%get3A_1319] {strides = array<i32>} : memref<272xf32, #tpu.memory_space<vmem>>, vector<16xf32>,
    %get3A_1321 = vector.shape_cast %get3A_1320 : vector<16xf32> to vector<16xf32>
    %get3A_1322 = arith.constant 1 : index
    %get3A_1323 = tpu.vector_load %arg9[%get3A_1322] {strides = array<i32>} : memref<272xf32, #tpu.memory_space<vmem>>, vector<16xf32>,
    %get3A_1324 = vector.shape_cast %get3A_1323 : vector<16xf32> to vector<16xf32>
    %get3A_1325 = arith.constant 544 : index
    %get3A_1326 = tpu.vector_load %arg10[%get3A_1325] {strides = array<i32>} : memref<816xf32, #tpu.memory_space<vmem>>, vector<16xf32>,
    %get3A_1327 = vector.shape_cast %get3A_1326 : vector<16xf32> to vector<16xf32>
    %mul3A_1328 = arith.mulf %get3A_1327, %get3A_1321 : vector<16xf32>
    %get3A_1329 = arith.constant 545 : index
    %get3A_1330 = tpu.vector_load %arg10[%get3A_1329] {strides = array<i32>} : memref<816xf32, #tpu.memory_space<vmem>>, vector<16xf32>,
    %get3A_1331 = vector.shape_cast %get3A_1330 : vector<16xf32> to vector<16xf32>
    %mul3A_1332 = arith.mulf %get3A_1331, %get3A_1324 : vector<16xf32>
    %sub3A_1333 = arith.subf %mul3A_1332, %mul3A_1328 : vector<16xf32>
    %swap3A_1334 = arith.constant 0 : index
    %swap3A_1335 = tpu.vector_load %arg11[%swap3A_1334] {strides = array<i32>} : memref<256xf32, #tpu.memory_space<vmem>>, vector<16xf32>,
    %swap3A_1336 = vector.shape_cast %swap3A_1335 : vector<16xf32> to vector<16xf32>
    %swap3A_1337 = vector.shape_cast %sub3A_1333 : vector<16xf32> to vector<16xf32>
    tpu.vector_store %arg11[%swap3A_1334], %swap3A_1337 {strides = array<i32>} : memref<256xf32, #tpu.memory_space<vmem>>, vector<16xf32>,
    %get3A_1338 = arith.constant 16 : index
    %get3A_1339 = tpu.vector_load %arg9[%get3A_1338] {strides = array<i32>} : memref<272xf32, #tpu.memory_space<vmem>>, vector<16xf32>,
    %get3A_1340 = vector.shape_cast %get3A_1339 : vector<16xf32> to vector<16xf32>
    %get3A_1341 = arith.constant 17 : index
    %get3A_1342 = tpu.vector_load %arg9[%get3A_1341] {strides = array<i32>} : memref<272xf32, #tpu.memory_space<vmem>>, vector<16xf32>,
    %get3A_1343 = vector.shape_cast %get3A_1342 : vector<16xf32> to vector<16xf32>
    %get3A_1344 = arith.constant 560 : index
    %get3A_1345 = tpu.vector_load %arg10[%get3A_1344] {strides = array<i32>} : memref<816xf32, #tpu.memory_space<vmem>>, vector<16xf32>,
    %get3A_1346 = vector.shape_cast %get3A_1345 : vector<16xf32> to vector<16xf32>
    %mul3A_1347 = arith.mulf %get3A_1346, %get3A_1340 : vector<16xf32>
    %get3A_1348 = arith.constant 561 : index
    %get3A_1349 = tpu.vector_load %arg10[%get3A_1348] {strides = array<i32>} : memref<816xf32, #tpu.memory_space<vmem>>, vector<16xf32>,
    %get3A_1350 = vector.shape_cast %get3A_1349 : vector<16xf32> to vector<16xf32>
    %mul3A_1351 = arith.mulf %get3A_1350, %get3A_1343 : vector<16xf32>
    %sub3A_1352 = arith.subf %mul3A_1351, %mul3A_1347 : vector<16xf32>
    %swap3A_1353 = arith.constant 16 : index
    %swap3A_1354 = tpu.vector_load %arg11[%swap3A_1353] {strides = array<i32>} : memref<256xf32, #tpu.memory_space<vmem>>, vector<16xf32>,
    %swap3A_1355 = vector.shape_cast %swap3A_1354 : vector<16xf32> to vector<16xf32>
    %swap3A_1356 = vector.shape_cast %sub3A_1352 : vector<16xf32> to vector<16xf32>
    tpu.vector_store %arg11[%swap3A_1353], %swap3A_1356 {strides = array<i32>} : memref<256xf32, #tpu.memory_space<vmem>>, vector<16xf32>,
    %get3A_1357 = arith.constant 32 : index
    %get3A_1358 = tpu.vector_load %arg9[%get3A_1357] {strides = array<i32>} : memref<272xf32, #tpu.memory_space<vmem>>, vector<16xf32>,
    %get3A_1359 = vector.shape_cast %get3A_1358 : vector<16xf32> to vector<16xf32>
    %get3A_1360 = arith.constant 33 : index
    %get3A_1361 = tpu.vector_load %arg9[%get3A_1360] {strides = array<i32>} : memref<272xf32, #tpu.memory_space<vmem>>, vector<16xf32>,
    %get3A_1362 = vector.shape_cast %get3A_1361 : vector<16xf32> to vector<16xf32>
    %get3A_1363 = arith.constant 576 : index
    %get3A_1364 = tpu.vector_load %arg10[%get3A_1363] {strides = array<i32>} : memref<816xf32, #tpu.memory_space<vmem>>, vector<16xf32>,
    %get3A_1365 = vector.shape_cast %get3A_1364 : vector<16xf32> to vector<16xf32>
    %mul3A_1366 = arith.mulf %get3A_1365, %get3A_1359 : vector<16xf32>
    %get3A_1367 = arith.constant 577 : index
    %get3A_1368 = tpu.vector_load %arg10[%get3A_1367] {strides = array<i32>} : memref<816xf32, #tpu.memory_space<vmem>>, vector<16xf32>,
    %get3A_1369 = vector.shape_cast %get3A_1368 : vector<16xf32> to vector<16xf32>
    %mul3A_1370 = arith.mulf %get3A_1369, %get3A_1362 : vector<16xf32>
    %sub3A_1371 = arith.subf %mul3A_1370, %mul3A_1366 : vector<16xf32>
    %swap3A_1372 = arith.constant 32 : index
    %swap3A_1373 = tpu.vector_load %arg11[%swap3A_1372] {strides = array<i32>} : memref<256xf32, #tpu.memory_space<vmem>>, vector<16xf32>,
    %swap3A_1374 = vector.shape_cast %swap3A_1373 : vector<16xf32> to vector<16xf32>
    %swap3A_1375 = vector.shape_cast %sub3A_1371 : vector<16xf32> to vector<16xf32>
    tpu.vector_store %arg11[%swap3A_1372], %swap3A_1375 {strides = array<i32>} : memref<256xf32, #tpu.memory_space<vmem>>, vector<16xf32>,
    %get3A_1376 = arith.constant 48 : index
    %get3A_1377 = tpu.vector_load %arg9[%get3A_1376] {strides = array<i32>} : memref<272xf32, #tpu.memory_space<vmem>>, vector<16xf32>,
    %get3A_1378 = vector.shape_cast %get3A_1377 : vector<16xf32> to vector<16xf32>
    %get3A_1379 = arith.constant 49 : index
    %get3A_1380 = tpu.vector_load %arg9[%get3A_1379] {strides = array<i32>} : memref<272xf32, #tpu.memory_space<vmem>>, vector<16xf32>,
    %get3A_1381 = vector.shape_cast %get3A_1380 : vector<16xf32> to vector<16xf32>
    %get3A_1382 = arith.constant 592 : index
    %get3A_1383 = tpu.vector_load %arg10[%get3A_1382] {strides = array<i32>} : memref<816xf32, #tpu.memory_space<vmem>>, vector<16xf32>,
    %get3A_1384 = vector.shape_cast %get3A_1383 : vector<16xf32> to vector<16xf32>
    %mul3A_1385 = arith.mulf %get3A_1384, %get3A_1378 : vector<16xf32>
    %get3A_1386 = arith.constant 593 : index
    %get3A_1387 = tpu.vector_load %arg10[%get3A_1386] {strides = array<i32>} : memref<816xf32, #tpu.memory_space<vmem>>, vector<16xf32>,
    %get3A_1388 = vector.shape_cast %get3A_1387 : vector<16xf32> to vector<16xf32>
    %mul3A_1389 = arith.mulf %get3A_1388, %get3A_1381 : vector<16xf32>
    %sub3A_1390 = arith.subf %mul3A_1389, %mul3A_1385 : vector<16xf32>
    %swap3A_1391 = arith.constant 48 : index
    %swap3A_1392 = tpu.vector_load %arg11[%swap3A_1391] {strides = array<i32>} : memref<256xf32, #tpu.memory_space<vmem>>, vector<16xf32>,
    %swap3A_1393 = vector.shape_cast %swap3A_1392 : vector<16xf32> to vector<16xf32>
    %swap3A_1394 = vector.shape_cast %sub3A_1390 : vector<16xf32> to vector<16xf32>
    tpu.vector_store %arg11[%swap3A_1391], %swap3A_1394 {strides = array<i32>} : memref<256xf32, #tpu.memory_space<vmem>>, vector<16xf32>,
    %get3A_1395 = arith.constant 64 : index
    %get3A_1396 = tpu.vector_load %arg9[%get3A_1395] {strides = array<i32>} : memref<272xf32, #tpu.memory_space<vmem>>, vector<16xf32>,
    %get3A_1397 = vector.shape_cast %get3A_1396 : vector<16xf32> to vector<16xf32>
    %get3A_1398 = arith.constant 65 : index
    %get3A_1399 = tpu.vector_load %arg9[%get3A_1398] {strides = array<i32>} : memref<272xf32, #tpu.memory_space<vmem>>, vector<16xf32>,
    %get3A_1400 = vector.shape_cast %get3A_1399 : vector<16xf32> to vector<16xf32>
    %get3A_1401 = arith.constant 608 : index
    %get3A_1402 = tpu.vector_load %arg10[%get3A_1401] {strides = array<i32>} : memref<816xf32, #tpu.memory_space<vmem>>, vector<16xf32>,
    %get3A_1403 = vector.shape_cast %get3A_1402 : vector<16xf32> to vector<16xf32>
    %mul3A_1404 = arith.mulf %get3A_1403, %get3A_1397 : vector<16xf32>
    %get3A_1405 = arith.constant 609 : index
    %get3A_1406 = tpu.vector_load %arg10[%get3A_1405] {strides = array<i32>} : memref<816xf32, #tpu.memory_space<vmem>>, vector<16xf32>,
    %get3A_1407 = vector.shape_cast %get3A_1406 : vector<16xf32> to vector<16xf32>
    %mul3A_1408 = arith.mulf %get3A_1407, %get3A_1400 : vector<16xf32>
    %sub3A_1409 = arith.subf %mul3A_1408, %mul3A_1404 : vector<16xf32>
    %swap3A_1410 = arith.constant 64 : index
    %swap3A_1411 = tpu.vector_load %arg11[%swap3A_1410] {strides = array<i32>} : memref<256xf32, #tpu.memory_space<vmem>>, vector<16xf32>,
    %swap3A_1412 = vector.shape_cast %swap3A_1411 : vector<16xf32> to vector<16xf32>
    %swap3A_1413 = vector.shape_cast %sub3A_1409 : vector<16xf32> to vector<16xf32>
    tpu.vector_store %arg11[%swap3A_1410], %swap3A_1413 {strides = array<i32>} : memref<256xf32, #tpu.memory_space<vmem>>, vector<16xf32>,
    %get3A_1414 = arith.constant 80 : index
    %get3A_1415 = tpu.vector_load %arg9[%get3A_1414] {strides = array<i32>} : memref<272xf32, #tpu.memory_space<vmem>>, vector<16xf32>,
    %get3A_1416 = vector.shape_cast %get3A_1415 : vector<16xf32> to vector<16xf32>
    %get3A_1417 = arith.constant 81 : index
    %get3A_1418 = tpu.vector_load %arg9[%get3A_1417] {strides = array<i32>} : memref<272xf32, #tpu.memory_space<vmem>>, vector<16xf32>,
    %get3A_1419 = vector.shape_cast %get3A_1418 : vector<16xf32> to vector<16xf32>
    %get3A_1420 = arith.constant 624 : index
    %get3A_1421 = tpu.vector_load %arg10[%get3A_1420] {strides = array<i32>} : memref<816xf32, #tpu.memory_space<vmem>>, vector<16xf32>,
    %get3A_1422 = vector.shape_cast %get3A_1421 : vector<16xf32> to vector<16xf32>
    %mul3A_1423 = arith.mulf %get3A_1422, %get3A_1416 : vector<16xf32>
    %get3A_1424 = arith.constant 625 : index
    %get3A_1425 = tpu.vector_load %arg10[%get3A_1424] {strides = array<i32>} : memref<816xf32, #tpu.memory_space<vmem>>, vector<16xf32>,
    %get3A_1426 = vector.shape_cast %get3A_1425 : vector<16xf32> to vector<16xf32>
    %mul3A_1427 = arith.mulf %get3A_1426, %get3A_1419 : vector<16xf32>
    %sub3A_1428 = arith.subf %mul3A_1427, %mul3A_1423 : vector<16xf32>
    %swap3A_1429 = arith.constant 80 : index
    %swap3A_1430 = tpu.vector_load %arg11[%swap3A_1429] {strides = array<i32>} : memref<256xf32, #tpu.memory_space<vmem>>, vector<16xf32>,
    %swap3A_1431 = vector.shape_cast %swap3A_1430 : vector<16xf32> to vector<16xf32>
    %swap3A_1432 = vector.shape_cast %sub3A_1428 : vector<16xf32> to vector<16xf32>
    tpu.vector_store %arg11[%swap3A_1429], %swap3A_1432 {strides = array<i32>} : memref<256xf32, #tpu.memory_space<vmem>>, vector<16xf32>,
    %get3A_1433 = arith.constant 96 : index
    %get3A_1434 = tpu.vector_load %arg9[%get3A_1433] {strides = array<i32>} : memref<272xf32, #tpu.memory_space<vmem>>, vector<16xf32>,
    %get3A_1435 = vector.shape_cast %get3A_1434 : vector<16xf32> to vector<16xf32>
    %get3A_1436 = arith.constant 97 : index
    %get3A_1437 = tpu.vector_load %arg9[%get3A_1436] {strides = array<i32>} : memref<272xf32, #tpu.memory_space<vmem>>, vector<16xf32>,
    %get3A_1438 = vector.shape_cast %get3A_1437 : vector<16xf32> to vector<16xf32>
    %get3A_1439 = arith.constant 640 : index
    %get3A_1440 = tpu.vector_load %arg10[%get3A_1439] {strides = array<i32>} : memref<816xf32, #tpu.memory_space<vmem>>, vector<16xf32>,
    %get3A_1441 = vector.shape_cast %get3A_1440 : vector<16xf32> to vector<16xf32>
    %mul3A_1442 = arith.mulf %get3A_1441, %get3A_1435 : vector<16xf32>
    %get3A_1443 = arith.constant 641 : index
    %get3A_1444 = tpu.vector_load %arg10[%get3A_1443] {strides = array<i32>} : memref<816xf32, #tpu.memory_space<vmem>>, vector<16xf32>,
    %get3A_1445 = vector.shape_cast %get3A_1444 : vector<16xf32> to vector<16xf32>
    %mul3A_1446 = arith.mulf %get3A_1445, %get3A_1438 : vector<16xf32>
    %sub3A_1447 = arith.subf %mul3A_1446, %mul3A_1442 : vector<16xf32>
    %swap3A_1448 = arith.constant 96 : index
    %swap3A_1449 = tpu.vector_load %arg11[%swap3A_1448] {strides = array<i32>} : memref<256xf32, #tpu.memory_space<vmem>>, vector<16xf32>,
    %swap3A_1450 = vector.shape_cast %swap3A_1449 : vector<16xf32> to vector<16xf32>
    %swap3A_1451 = vector.shape_cast %sub3A_1447 : vector<16xf32> to vector<16xf32>
    tpu.vector_store %arg11[%swap3A_1448], %swap3A_1451 {strides = array<i32>} : memref<256xf32, #tpu.memory_space<vmem>>, vector<16xf32>,
    %get3A_1452 = arith.constant 112 : index
    %get3A_1453 = tpu.vector_load %arg9[%get3A_1452] {strides = array<i32>} : memref<272xf32, #tpu.memory_space<vmem>>, vector<16xf32>,
    %get3A_1454 = vector.shape_cast %get3A_1453 : vector<16xf32> to vector<16xf32>
    %get3A_1455 = arith.constant 113 : index
    %get3A_1456 = tpu.vector_load %arg9[%get3A_1455] {strides = array<i32>} : memref<272xf32, #tpu.memory_space<vmem>>, vector<16xf32>,
    %get3A_1457 = vector.shape_cast %get3A_1456 : vector<16xf32> to vector<16xf32>
    %get3A_1458 = arith.constant 656 : index
    %get3A_1459 = tpu.vector_load %arg10[%get3A_1458] {strides = array<i32>} : memref<816xf32, #tpu.memory_space<vmem>>, vector<16xf32>,
    %get3A_1460 = vector.shape_cast %get3A_1459 : vector<16xf32> to vector<16xf32>
    %mul3A_1461 = arith.mulf %get3A_1460, %get3A_1454 : vector<16xf32>
    %get3A_1462 = arith.constant 657 : index
    %get3A_1463 = tpu.vector_load %arg10[%get3A_1462] {strides = array<i32>} : memref<816xf32, #tpu.memory_space<vmem>>, vector<16xf32>,
    %get3A_1464 = vector.shape_cast %get3A_1463 : vector<16xf32> to vector<16xf32>
    %mul3A_1465 = arith.mulf %get3A_1464, %get3A_1457 : vector<16xf32>
    %sub3A_1466 = arith.subf %mul3A_1465, %mul3A_1461 : vector<16xf32>
    %swap3A_1467 = arith.constant 112 : index
    %swap3A_1468 = tpu.vector_load %arg11[%swap3A_1467] {strides = array<i32>} : memref<256xf32, #tpu.memory_space<vmem>>, vector<16xf32>,
    %swap3A_1469 = vector.shape_cast %swap3A_1468 : vector<16xf32> to vector<16xf32>
    %swap3A_1470 = vector.shape_cast %sub3A_1466 : vector<16xf32> to vector<16xf32>
    tpu.vector_store %arg11[%swap3A_1467], %swap3A_1470 {strides = array<i32>} : memref<256xf32, #tpu.memory_space<vmem>>, vector<16xf32>,
    %get3A_1471 = arith.constant 128 : index
    %get3A_1472 = tpu.vector_load %arg9[%get3A_1471] {strides = array<i32>} : memref<272xf32, #tpu.memory_space<vmem>>, vector<16xf32>,
    %get3A_1473 = vector.shape_cast %get3A_1472 : vector<16xf32> to vector<16xf32>
    %get3A_1474 = arith.constant 129 : index
    %get3A_1475 = tpu.vector_load %arg9[%get3A_1474] {strides = array<i32>} : memref<272xf32, #tpu.memory_space<vmem>>, vector<16xf32>,
    %get3A_1476 = vector.shape_cast %get3A_1475 : vector<16xf32> to vector<16xf32>
    %get3A_1477 = arith.constant 672 : index
    %get3A_1478 = tpu.vector_load %arg10[%get3A_1477] {strides = array<i32>} : memref<816xf32, #tpu.memory_space<vmem>>, vector<16xf32>,
    %get3A_1479 = vector.shape_cast %get3A_1478 : vector<16xf32> to vector<16xf32>
    %mul3A_1480 = arith.mulf %get3A_1479, %get3A_1473 : vector<16xf32>
    %get3A_1481 = arith.constant 673 : index
    %get3A_1482 = tpu.vector_load %arg10[%get3A_1481] {strides = array<i32>} : memref<816xf32, #tpu.memory_space<vmem>>, vector<16xf32>,
    %get3A_1483 = vector.shape_cast %get3A_1482 : vector<16xf32> to vector<16xf32>
    %mul3A_1484 = arith.mulf %get3A_1483, %get3A_1476 : vector<16xf32>
    %sub3A_1485 = arith.subf %mul3A_1484, %mul3A_1480 : vector<16xf32>
    %swap3A_1486 = arith.constant 128 : index
    %swap3A_1487 = tpu.vector_load %arg11[%swap3A_1486] {strides = array<i32>} : memref<256xf32, #tpu.memory_space<vmem>>, vector<16xf32>,
    %swap3A_1488 = vector.shape_cast %swap3A_1487 : vector<16xf32> to vector<16xf32>
    %swap3A_1489 = vector.shape_cast %sub3A_1485 : vector<16xf32> to vector<16xf32>
    tpu.vector_store %arg11[%swap3A_1486], %swap3A_1489 {strides = array<i32>} : memref<256xf32, #tpu.memory_space<vmem>>, vector<16xf32>,
    %get3A_1490 = arith.constant 144 : index
    %get3A_1491 = tpu.vector_load %arg9[%get3A_1490] {strides = array<i32>} : memref<272xf32, #tpu.memory_space<vmem>>, vector<16xf32>,
    %get3A_1492 = vector.shape_cast %get3A_1491 : vector<16xf32> to vector<16xf32>
    %get3A_1493 = arith.constant 145 : index
    %get3A_1494 = tpu.vector_load %arg9[%get3A_1493] {strides = array<i32>} : memref<272xf32, #tpu.memory_space<vmem>>, vector<16xf32>,
    %get3A_1495 = vector.shape_cast %get3A_1494 : vector<16xf32> to vector<16xf32>
    %get3A_1496 = arith.constant 688 : index
    %get3A_1497 = tpu.vector_load %arg10[%get3A_1496] {strides = array<i32>} : memref<816xf32, #tpu.memory_space<vmem>>, vector<16xf32>,
    %get3A_1498 = vector.shape_cast %get3A_1497 : vector<16xf32> to vector<16xf32>
    %mul3A_1499 = arith.mulf %get3A_1498, %get3A_1492 : vector<16xf32>
    %get3A_1500 = arith.constant 689 : index
    %get3A_1501 = tpu.vector_load %arg10[%get3A_1500] {strides = array<i32>} : memref<816xf32, #tpu.memory_space<vmem>>, vector<16xf32>,
    %get3A_1502 = vector.shape_cast %get3A_1501 : vector<16xf32> to vector<16xf32>
    %mul3A_1503 = arith.mulf %get3A_1502, %get3A_1495 : vector<16xf32>
    %sub3A_1504 = arith.subf %mul3A_1503, %mul3A_1499 : vector<16xf32>
    %swap3A_1505 = arith.constant 144 : index
    %swap3A_1506 = tpu.vector_load %arg11[%swap3A_1505] {strides = array<i32>} : memref<256xf32, #tpu.memory_space<vmem>>, vector<16xf32>,
    %swap3A_1507 = vector.shape_cast %swap3A_1506 : vector<16xf32> to vector<16xf32>
    %swap3A_1508 = vector.shape_cast %sub3A_1504 : vector<16xf32> to vector<16xf32>
    tpu.vector_store %arg11[%swap3A_1505], %swap3A_1508 {strides = array<i32>} : memref<256xf32, #tpu.memory_space<vmem>>, vector<16xf32>,
    %get3A_1509 = arith.constant 160 : index
    %get3A_1510 = tpu.vector_load %arg9[%get3A_1509] {strides = array<i32>} : memref<272xf32, #tpu.memory_space<vmem>>, vector<16xf32>,
    %get3A_1511 = vector.shape_cast %get3A_1510 : vector<16xf32> to vector<16xf32>
    %get3A_1512 = arith.constant 161 : index
    %get3A_1513 = tpu.vector_load %arg9[%get3A_1512] {strides = array<i32>} : memref<272xf32, #tpu.memory_space<vmem>>, vector<16xf32>,
    %get3A_1514 = vector.shape_cast %get3A_1513 : vector<16xf32> to vector<16xf32>
    %get3A_1515 = arith.constant 704 : index
    %get3A_1516 = tpu.vector_load %arg10[%get3A_1515] {strides = array<i32>} : memref<816xf32, #tpu.memory_space<vmem>>, vector<16xf32>,
    %get3A_1517 = vector.shape_cast %get3A_1516 : vector<16xf32> to vector<16xf32>
    %mul3A_1518 = arith.mulf %get3A_1517, %get3A_1511 : vector<16xf32>
    %get3A_1519 = arith.constant 705 : index
    %get3A_1520 = tpu.vector_load %arg10[%get3A_1519] {strides = array<i32>} : memref<816xf32, #tpu.memory_space<vmem>>, vector<16xf32>,
    %get3A_1521 = vector.shape_cast %get3A_1520 : vector<16xf32> to vector<16xf32>
    %mul3A_1522 = arith.mulf %get3A_1521, %get3A_1514 : vector<16xf32>
    %sub3A_1523 = arith.subf %mul3A_1522, %mul3A_1518 : vector<16xf32>
    %swap3A_1524 = arith.constant 160 : index
    %swap3A_1525 = tpu.vector_load %arg11[%swap3A_1524] {strides = array<i32>} : memref<256xf32, #tpu.memory_space<vmem>>, vector<16xf32>,
    %swap3A_1526 = vector.shape_cast %swap3A_1525 : vector<16xf32> to vector<16xf32>
    %swap3A_1527 = vector.shape_cast %sub3A_1523 : vector<16xf32> to vector<16xf32>
    tpu.vector_store %arg11[%swap3A_1524], %swap3A_1527 {strides = array<i32>} : memref<256xf32, #tpu.memory_space<vmem>>, vector<16xf32>,
    %get3A_1528 = arith.constant 176 : index
    %get3A_1529 = tpu.vector_load %arg9[%get3A_1528] {strides = array<i32>} : memref<272xf32, #tpu.memory_space<vmem>>, vector<16xf32>,
    %get3A_1530 = vector.shape_cast %get3A_1529 : vector<16xf32> to vector<16xf32>
    %get3A_1531 = arith.constant 177 : index
    %get3A_1532 = tpu.vector_load %arg9[%get3A_1531] {strides = array<i32>} : memref<272xf32, #tpu.memory_space<vmem>>, vector<16xf32>,
    %get3A_1533 = vector.shape_cast %get3A_1532 : vector<16xf32> to vector<16xf32>
    %get3A_1534 = arith.constant 720 : index
    %get3A_1535 = tpu.vector_load %arg10[%get3A_1534] {strides = array<i32>} : memref<816xf32, #tpu.memory_space<vmem>>, vector<16xf32>,
    %get3A_1536 = vector.shape_cast %get3A_1535 : vector<16xf32> to vector<16xf32>
    %mul3A_1537 = arith.mulf %get3A_1536, %get3A_1530 : vector<16xf32>
    %get3A_1538 = arith.constant 721 : index
    %get3A_1539 = tpu.vector_load %arg10[%get3A_1538] {strides = array<i32>} : memref<816xf32, #tpu.memory_space<vmem>>, vector<16xf32>,
    %get3A_1540 = vector.shape_cast %get3A_1539 : vector<16xf32> to vector<16xf32>
    %mul3A_1541 = arith.mulf %get3A_1540, %get3A_1533 : vector<16xf32>
    %sub3A_1542 = arith.subf %mul3A_1541, %mul3A_1537 : vector<16xf32>
    %swap3A_1543 = arith.constant 176 : index
    %swap3A_1544 = tpu.vector_load %arg11[%swap3A_1543] {strides = array<i32>} : memref<256xf32, #tpu.memory_space<vmem>>, vector<16xf32>,
    %swap3A_1545 = vector.shape_cast %swap3A_1544 : vector<16xf32> to vector<16xf32>
    %swap3A_1546 = vector.shape_cast %sub3A_1542 : vector<16xf32> to vector<16xf32>
    tpu.vector_store %arg11[%swap3A_1543], %swap3A_1546 {strides = array<i32>} : memref<256xf32, #tpu.memory_space<vmem>>, vector<16xf32>,
    %get3A_1547 = arith.constant 192 : index
    %get3A_1548 = tpu.vector_load %arg9[%get3A_1547] {strides = array<i32>} : memref<272xf32, #tpu.memory_space<vmem>>, vector<16xf32>,
    %get3A_1549 = vector.shape_cast %get3A_1548 : vector<16xf32> to vector<16xf32>
    %get3A_1550 = arith.constant 193 : index
    %get3A_1551 = tpu.vector_load %arg9[%get3A_1550] {strides = array<i32>} : memref<272xf32, #tpu.memory_space<vmem>>, vector<16xf32>,
    %get3A_1552 = vector.shape_cast %get3A_1551 : vector<16xf32> to vector<16xf32>
    %get3A_1553 = arith.constant 736 : index
    %get3A_1554 = tpu.vector_load %arg10[%get3A_1553] {strides = array<i32>} : memref<816xf32, #tpu.memory_space<vmem>>, vector<16xf32>,
    %get3A_1555 = vector.shape_cast %get3A_1554 : vector<16xf32> to vector<16xf32>
    %mul3A_1556 = arith.mulf %get3A_1555, %get3A_1549 : vector<16xf32>
    %get3A_1557 = arith.constant 737 : index
    %get3A_1558 = tpu.vector_load %arg10[%get3A_1557] {strides = array<i32>} : memref<816xf32, #tpu.memory_space<vmem>>, vector<16xf32>,
    %get3A_1559 = vector.shape_cast %get3A_1558 : vector<16xf32> to vector<16xf32>
    %mul3A_1560 = arith.mulf %get3A_1559, %get3A_1552 : vector<16xf32>
    %sub3A_1561 = arith.subf %mul3A_1560, %mul3A_1556 : vector<16xf32>
    %swap3A_1562 = arith.constant 192 : index
    %swap3A_1563 = tpu.vector_load %arg11[%swap3A_1562] {strides = array<i32>} : memref<256xf32, #tpu.memory_space<vmem>>, vector<16xf32>,
    %swap3A_1564 = vector.shape_cast %swap3A_1563 : vector<16xf32> to vector<16xf32>
    %swap3A_1565 = vector.shape_cast %sub3A_1561 : vector<16xf32> to vector<16xf32>
    tpu.vector_store %arg11[%swap3A_1562], %swap3A_1565 {strides = array<i32>} : memref<256xf32, #tpu.memory_space<vmem>>, vector<16xf32>,
    %get3A_1566 = arith.constant 208 : index
    %get3A_1567 = tpu.vector_load %arg9[%get3A_1566] {strides = array<i32>} : memref<272xf32, #tpu.memory_space<vmem>>, vector<16xf32>,
    %get3A_1568 = vector.shape_cast %get3A_1567 : vector<16xf32> to vector<16xf32>
    %get3A_1569 = arith.constant 209 : index
    %get3A_1570 = tpu.vector_load %arg9[%get3A_1569] {strides = array<i32>} : memref<272xf32, #tpu.memory_space<vmem>>, vector<16xf32>,
    %get3A_1571 = vector.shape_cast %get3A_1570 : vector<16xf32> to vector<16xf32>
    %get3A_1572 = arith.constant 752 : index
    %get3A_1573 = tpu.vector_load %arg10[%get3A_1572] {strides = array<i32>} : memref<816xf32, #tpu.memory_space<vmem>>, vector<16xf32>,
    %get3A_1574 = vector.shape_cast %get3A_1573 : vector<16xf32> to vector<16xf32>
    %mul3A_1575 = arith.mulf %get3A_1574, %get3A_1568 : vector<16xf32>
    %get3A_1576 = arith.constant 753 : index
    %get3A_1577 = tpu.vector_load %arg10[%get3A_1576] {strides = array<i32>} : memref<816xf32, #tpu.memory_space<vmem>>, vector<16xf32>,
    %get3A_1578 = vector.shape_cast %get3A_1577 : vector<16xf32> to vector<16xf32>
    %mul3A_1579 = arith.mulf %get3A_1578, %get3A_1571 : vector<16xf32>
    %sub3A_1580 = arith.subf %mul3A_1579, %mul3A_1575 : vector<16xf32>
    %swap3A_1581 = arith.constant 208 : index
    %swap3A_1582 = tpu.vector_load %arg11[%swap3A_1581] {strides = array<i32>} : memref<256xf32, #tpu.memory_space<vmem>>, vector<16xf32>,
    %swap3A_1583 = vector.shape_cast %swap3A_1582 : vector<16xf32> to vector<16xf32>
    %swap3A_1584 = vector.shape_cast %sub3A_1580 : vector<16xf32> to vector<16xf32>
    tpu.vector_store %arg11[%swap3A_1581], %swap3A_1584 {strides = array<i32>} : memref<256xf32, #tpu.memory_space<vmem>>, vector<16xf32>,
    %get3A_1585 = arith.constant 224 : index
    %get3A_1586 = tpu.vector_load %arg9[%get3A_1585] {strides = array<i32>} : memref<272xf32, #tpu.memory_space<vmem>>, vector<16xf32>,
    %get3A_1587 = vector.shape_cast %get3A_1586 : vector<16xf32> to vector<16xf32>
    %get3A_1588 = arith.constant 225 : index
    %get3A_1589 = tpu.vector_load %arg9[%get3A_1588] {strides = array<i32>} : memref<272xf32, #tpu.memory_space<vmem>>, vector<16xf32>,
    %get3A_1590 = vector.shape_cast %get3A_1589 : vector<16xf32> to vector<16xf32>
    %get3A_1591 = arith.constant 768 : index
    %get3A_1592 = tpu.vector_load %arg10[%get3A_1591] {strides = array<i32>} : memref<816xf32, #tpu.memory_space<vmem>>, vector<16xf32>,
    %get3A_1593 = vector.shape_cast %get3A_1592 : vector<16xf32> to vector<16xf32>
    %mul3A_1594 = arith.mulf %get3A_1593, %get3A_1587 : vector<16xf32>
    %get3A_1595 = arith.constant 769 : index
    %get3A_1596 = tpu.vector_load %arg10[%get3A_1595] {strides = array<i32>} : memref<816xf32, #tpu.memory_space<vmem>>, vector<16xf32>,
    %get3A_1597 = vector.shape_cast %get3A_1596 : vector<16xf32> to vector<16xf32>
    %mul3A_1598 = arith.mulf %get3A_1597, %get3A_1590 : vector<16xf32>
    %sub3A_1599 = arith.subf %mul3A_1598, %mul3A_1594 : vector<16xf32>
    %swap3A_1600 = arith.constant 224 : index
    %swap3A_1601 = tpu.vector_load %arg11[%swap3A_1600] {strides = array<i32>} : memref<256xf32, #tpu.memory_space<vmem>>, vector<16xf32>,
    %swap3A_1602 = vector.shape_cast %swap3A_1601 : vector<16xf32> to vector<16xf32>
    %swap3A_1603 = vector.shape_cast %sub3A_1599 : vector<16xf32> to vector<16xf32>
    tpu.vector_store %arg11[%swap3A_1600], %swap3A_1603 {strides = array<i32>} : memref<256xf32, #tpu.memory_space<vmem>>, vector<16xf32>,
    %get3A_1604 = arith.constant 240 : index
    %get3A_1605 = tpu.vector_load %arg9[%get3A_1604] {strides = array<i32>} : memref<272xf32, #tpu.memory_space<vmem>>, vector<16xf32>,
    %get3A_1606 = vector.shape_cast %get3A_1605 : vector<16xf32> to vector<16xf32>
    %get3A_1607 = arith.constant 241 : index
    %get3A_1608 = tpu.vector_load %arg9[%get3A_1607] {strides = array<i32>} : memref<272xf32, #tpu.memory_space<vmem>>, vector<16xf32>,
    %get3A_1609 = vector.shape_cast %get3A_1608 : vector<16xf32> to vector<16xf32>
    %get3A_1610 = arith.constant 784 : index
    %get3A_1611 = tpu.vector_load %arg10[%get3A_1610] {strides = array<i32>} : memref<816xf32, #tpu.memory_space<vmem>>, vector<16xf32>,
    %get3A_1612 = vector.shape_cast %get3A_1611 : vector<16xf32> to vector<16xf32>
    %mul3A_1613 = arith.mulf %get3A_1612, %get3A_1606 : vector<16xf32>
    %get3A_1614 = arith.constant 785 : index
    %get3A_1615 = tpu.vector_load %arg10[%get3A_1614] {strides = array<i32>} : memref<816xf32, #tpu.memory_space<vmem>>, vector<16xf32>,
    %get3A_1616 = vector.shape_cast %get3A_1615 : vector<16xf32> to vector<16xf32>
    %mul3A_1617 = arith.mulf %get3A_1616, %get3A_1609 : vector<16xf32>
    %sub3A_1618 = arith.subf %mul3A_1617, %mul3A_1613 : vector<16xf32>
    %swap3A_1619 = arith.constant 240 : index
    %swap3A_1620 = tpu.vector_load %arg11[%swap3A_1619] {strides = array<i32>} : memref<256xf32, #tpu.memory_space<vmem>>, vector<16xf32>,
    %swap3A_1621 = vector.shape_cast %swap3A_1620 : vector<16xf32> to vector<16xf32>
    %swap3A_1622 = vector.shape_cast %sub3A_1618 : vector<16xf32> to vector<16xf32>
    tpu.vector_store %arg11[%swap3A_1619], %swap3A_1622 {strides = array<i32>} : memref<256xf32, #tpu.memory_space<vmem>>, vector<16xf32>,
    "tpu.region"() ({
      %run_scoped3A = tpu.sem_alloc : memref<!tpu.dma_semaphore, #tpu.memory_space<semaphore_mem>>
      %dma_start3A_1623 = tpu.memref_slice %arg6[%mul3A_2] : memref<8192xf32, #tpu.memory_space<hbm>> -> memref<256xf32, #tpu.memory_space<hbm>>
      %dma_start3A_1624 = tpu.memref_slice %arg6[%mul3A_2] : memref<8192xf32, #tpu.memory_space<hbm>> -> memref<256xf32, #tpu.memory_space<hbm>>
      tpu.enqueue_dma source(%arg11 : memref<256xf32, #tpu.memory_space<vmem>>) target(%dma_start3A_1624 : memref<256xf32, #tpu.memory_space<hbm>>) target_semaphore(%run_scoped3A : memref<!tpu.dma_semaphore, #tpu.memory_space<semaphore_mem>>)
      %dma_wait3A_1625 = tpu.memref_slice %arg6[%mul3A_2] : memref<8192xf32, #tpu.memory_space<hbm>> -> memref<256xf32, #tpu.memory_space<hbm>>
      %dma_wait3A_1626 = tpu.memref_slice %arg6[%mul3A_2] : memref<8192xf32, #tpu.memory_space<hbm>> -> memref<256xf32, #tpu.memory_space<hbm>>
      tpu.wait_dma2 semaphore(%run_scoped3A : memref<!tpu.dma_semaphore, #tpu.memory_space<semaphore_mem>>) src(%arg11 : memref<256xf32, #tpu.memory_space<vmem>>) dst(%dma_wait3A_1626 : memref<256xf32, #tpu.memory_space<hbm>>)
      tpu.yield
    }) : () -> ()
    return
  }
}

module attributes {stable_mosaic.version = 14 : i64} {
  func.func @_cumsum_body(%arg0: i32, %arg1: memref<3x256x128xf32, #tpu.memory_space<vmem>>, %arg2: memref<256x128xf32, #tpu.memory_space<vmem>>, %arg3: memref<3x256x128xf32, #tpu.memory_space<vmem>>, %arg4: memref<3xf32, #tpu.memory_space<smem>>) attributes {dimension_semantics = [#tpu.dimension_semantics<arbitrary>], iteration_bounds = array<i64: 8>, scalar_prefetch = 0 : i64, scratch_operands = 1 : i64, tpu.core_type = #tpu.core_type<tc>, window_params = [{transform_indices = @transform_0, window_bounds = array<i64: 3, 256, 128>}, {transform_indices = @transform_1, window_bounds = array<i64: 256, 128>}, {transform_indices = @transform_2, window_bounds = array<i64: 3, 256, 128>}]} {
    %eq3A = arith.constant 0 : i32
    %eq3A_0 = arith.cmpi eq, %arg0, %eq3A : i32
    %convert_element_type3A = arith.extui %eq3A_0 : i1 to i32
    %cond3A = arith.constant 0 : i32
    %cond3A_1 = arith.cmpi ne, %convert_element_type3A, %cond3A : i32
    scf.if %cond3A_1 {
      %swap3A_99 = arith.constant 0.000000e+00 : f32
      %swap3A_100 = arith.constant 0 : index
      %swap3A_101 = memref.load %arg4[%swap3A_100] : memref<3xf32, #tpu.memory_space<smem>>
      memref.store %swap3A_99, %arg4[%swap3A_100] : memref<3xf32, #tpu.memory_space<smem>>
      %swap3A_102 = arith.constant 0.000000e+00 : f32
      %swap3A_103 = arith.constant 1 : index
      %swap3A_104 = memref.load %arg4[%swap3A_103] : memref<3xf32, #tpu.memory_space<smem>>
      memref.store %swap3A_102, %arg4[%swap3A_103] : memref<3xf32, #tpu.memory_space<smem>>
      %swap3A_105 = arith.constant 0.000000e+00 : f32
      %swap3A_106 = arith.constant 2 : index
      %swap3A_107 = memref.load %arg4[%swap3A_106] : memref<3xf32, #tpu.memory_space<smem>>
      memref.store %swap3A_105, %arg4[%swap3A_106] : memref<3xf32, #tpu.memory_space<smem>>
    } else {
    }
    %iota3A = tpu.iota {dimensions = array<i32: 0>} : vector<128x128xi32>
    %iota3A_2 = tpu.iota {dimensions = array<i32: 1>} : vector<128x128xi32>
    %le3A = arith.cmpi sle, %iota3A, %iota3A_2 : vector<128x128xi32>
    %convert_element_type3A_3 = arith.extui %le3A : vector<128x128xi1> to vector<128x128xi32>
    %convert_element_type3A_4 = arith.sitofp %convert_element_type3A_3 : vector<128x128xi32> to vector<128x128xf32>
    %iota3A_5 = tpu.iota {dimensions = array<i32: 0>} : vector<256x256xi32>
    %iota3A_6 = tpu.iota {dimensions = array<i32: 1>} : vector<256x256xi32>
    %lt3A = arith.cmpi slt, %iota3A_6, %iota3A_5 : vector<256x256xi32>
    %convert_element_type3A_7 = arith.extui %lt3A : vector<256x256xi1> to vector<256x256xi32>
    %convert_element_type3A_8 = arith.sitofp %convert_element_type3A_7 : vector<256x256xi32> to vector<256x256xf32>
    %get3A = arith.constant 0 : index
    %get3A_9 = arith.constant 0 : index
    %get3A_10 = arith.constant 0 : index
    %get3A_11 = vector.load %arg1[%get3A, %get3A_9, %get3A_10] : memref<3x256x128xf32, #tpu.memory_space<vmem>>, vector<3x256x128xf32>
    %get3A_12 = arith.constant 0 : index
    %get3A_13 = arith.constant 0 : index
    %get3A_14 = vector.load %arg2[%get3A_12, %get3A_13] : memref<256x128xf32, #tpu.memory_space<vmem>>, vector<256x128xf32>
    %broadcast_in_dim3A = vector.shape_cast %get3A_14 : vector<256x128xf32> to vector<1x256x128xf32>
    %mul3A = vector.broadcast %broadcast_in_dim3A : vector<1x256x128xf32> to vector<3x256x128xf32>
    %mul3A_15 = arith.mulf %get3A_11, %mul3A : vector<3x256x128xf32>
    %reshape3A = vector.shape_cast %mul3A_15 : vector<3x256x128xf32> to vector<768x128xf32>
    %convert_element_type3A_16 = arith.truncf %reshape3A : vector<768x128xf32> to vector<768x128xbf16>
    %convert_element_type3A_17 = arith.extf %convert_element_type3A_16 : vector<768x128xbf16> to vector<768x128xf32>
    %sub3A = arith.subf %reshape3A, %convert_element_type3A_17 : vector<768x128xf32>
    %dot_general3A = arith.constant dense<0.000000e+00> : vector<768x128xf32>
    %dot_general3A_18 = tpu.matmul %convert_element_type3A_17, %convert_element_type3A_4, %dot_general3A {dimension_numbers = #tpu.dot_dimension_numbers<[1], [0], [0], [1], [0, 0, 1, 1], [], []>, transpose_lhs_hint = false} : vector<768x128xf32>, vector<128x128xf32>, vector<768x128xf32> -> vector<768x128xf32>
    %dot_general3A_19 = arith.constant dense<0.000000e+00> : vector<768x128xf32>
    %dot_general3A_20 = tpu.matmul %sub3A, %convert_element_type3A_4, %dot_general3A_19 {dimension_numbers = #tpu.dot_dimension_numbers<[1], [0], [0], [1], [0, 0, 1, 1], [], []>, transpose_lhs_hint = false} : vector<768x128xf32>, vector<128x128xf32>, vector<768x128xf32> -> vector<768x128xf32>
    %add3A = arith.addf %dot_general3A_18, %dot_general3A_20 : vector<768x128xf32>
    %slice3A = vector.extract_strided_slice %add3A {offsets = [0, 127], sizes = [768, 1], strides = [1, 1]} : vector<768x128xf32> to vector<768x1xf32>
    %slice3A_21 = vector.extract_strided_slice %slice3A {offsets = [0, 0], sizes = [256, 1], strides = [1, 1]} : vector<768x1xf32> to vector<256x1xf32>
    %slice3A_22 = vector.extract_strided_slice %slice3A {offsets = [256, 0], sizes = [256, 1], strides = [1, 1]} : vector<768x1xf32> to vector<256x1xf32>
    %slice3A_23 = vector.extract_strided_slice %slice3A {offsets = [512, 0], sizes = [256, 1], strides = [1, 1]} : vector<768x1xf32> to vector<256x1xf32>
    %concatenate3A = tpu.concatenate %slice3A_21, %slice3A_22, %slice3A_23 in 1 : vector<256x1xf32>, vector<256x1xf32>, vector<256x1xf32> -> vector<256x3xf32>
    %dot_general3A_24 = arith.constant dense<0.000000e+00> : vector<256x3xf32>
    %dot_general3A_25 = tpu.matmul %convert_element_type3A_8, %concatenate3A, %dot_general3A_24 {dimension_numbers = #tpu.dot_dimension_numbers<[1], [0], [0], [1], [0, 0, 1, 1], [], []>, precision = #tpu.contract_precision<fp32>, transpose_lhs_hint = false} : vector<256x256xf32>, vector<256x3xf32>, vector<256x3xf32> -> vector<256x3xf32>
    %slice3A_26 = vector.extract_strided_slice %add3A {offsets = [0, 0], sizes = [256, 128], strides = [1, 1]} : vector<768x128xf32> to vector<256x128xf32>
    %slice3A_27 = vector.extract_strided_slice %dot_general3A_25 {offsets = [0, 0], sizes = [256, 1], strides = [1, 1]} : vector<256x3xf32> to vector<256x1xf32>
    %add3A_28 = vector.broadcast %slice3A_27 : vector<256x1xf32> to vector<256x128xf32>
    %add3A_29 = arith.addf %slice3A_26, %add3A_28 : vector<256x128xf32>
    %get3A_30 = arith.constant 0 : index
    %get3A_31 = memref.load %arg4[%get3A_30] : memref<3xf32, #tpu.memory_space<smem>>
    %add3A_32 = vector.broadcast %get3A_31 : f32 to vector<256x128xf32>
    %add3A_33 = arith.addf %add3A_29, %add3A_32 : vector<256x128xf32>
    %swap3A = arith.constant 0 : index
    %swap3A_34 = arith.constant 0 : index
    %swap3A_35 = arith.constant 0 : index
    %swap3A_36 = vector.load %arg3[%swap3A, %swap3A_34, %swap3A_35] : memref<3x256x128xf32, #tpu.memory_space<vmem>>, vector<1x256x128xf32>
    %swap3A_37 = vector.shape_cast %swap3A_36 : vector<1x256x128xf32> to vector<256x128xf32>
    %swap3A_38 = vector.shape_cast %add3A_33 : vector<256x128xf32> to vector<1x256x128xf32>
    tpu.vector_store %arg3[%swap3A, %swap3A_34, %swap3A_35], %swap3A_38 {strides = array<i32>} : memref<3x256x128xf32, #tpu.memory_space<vmem>>, vector<1x256x128xf32>,
    %get3A_39 = arith.constant 0 : index
    %get3A_40 = memref.load %arg4[%get3A_39] : memref<3xf32, #tpu.memory_space<smem>>
    %slice3A_41 = vector.extract_strided_slice %concatenate3A {offsets = [0, 0], sizes = [256, 1], strides = [1, 1]} : vector<256x3xf32> to vector<256x1xf32>
    %reduce_sum3A = vector.shape_cast %slice3A_41 : vector<256x1xf32> to vector<1x256x1xf32>
    %reduce_sum3A_42 = arith.constant dense<0.000000e+00> : vector<1xf32>
    %reduce_sum3A_43 = vector.multi_reduction <add>, %reduce_sum3A, %reduce_sum3A_42 [1, 2] : vector<1x256x1xf32> to vector<1xf32>
    %reduce_sum3A_44 = vector.shape_cast %reduce_sum3A_43 : vector<1xf32> to vector<1x1x1xf32>
    %reduce_sum3A_45 = vector.extract %reduce_sum3A_44[0, 0, 0] : f32 from vector<1x1x1xf32>
    %add3A_46 = arith.addf %get3A_40, %reduce_sum3A_45 : f32
    %swap3A_47 = arith.constant 0 : index
    %swap3A_48 = memref.load %arg4[%swap3A_47] : memref<3xf32, #tpu.memory_space<smem>>
    memref.store %add3A_46, %arg4[%swap3A_47] : memref<3xf32, #tpu.memory_space<smem>>
    %slice3A_49 = vector.extract_strided_slice %add3A {offsets = [256, 0], sizes = [256, 128], strides = [1, 1]} : vector<768x128xf32> to vector<256x128xf32>
    %slice3A_50 = vector.extract_strided_slice %dot_general3A_25 {offsets = [0, 1], sizes = [256, 1], strides = [1, 1]} : vector<256x3xf32> to vector<256x1xf32>
    %add3A_51 = vector.broadcast %slice3A_50 : vector<256x1xf32> to vector<256x128xf32>
    %add3A_52 = arith.addf %slice3A_49, %add3A_51 : vector<256x128xf32>
    %get3A_53 = arith.constant 1 : index
    %get3A_54 = memref.load %arg4[%get3A_53] : memref<3xf32, #tpu.memory_space<smem>>
    %add3A_55 = vector.broadcast %get3A_54 : f32 to vector<256x128xf32>
    %add3A_56 = arith.addf %add3A_52, %add3A_55 : vector<256x128xf32>
    %swap3A_57 = arith.constant 1 : index
    %swap3A_58 = arith.constant 0 : index
    %swap3A_59 = arith.constant 0 : index
    %swap3A_60 = vector.load %arg3[%swap3A_57, %swap3A_58, %swap3A_59] : memref<3x256x128xf32, #tpu.memory_space<vmem>>, vector<1x256x128xf32>
    %swap3A_61 = vector.shape_cast %swap3A_60 : vector<1x256x128xf32> to vector<256x128xf32>
    %swap3A_62 = vector.shape_cast %add3A_56 : vector<256x128xf32> to vector<1x256x128xf32>
    tpu.vector_store %arg3[%swap3A_57, %swap3A_58, %swap3A_59], %swap3A_62 {strides = array<i32>} : memref<3x256x128xf32, #tpu.memory_space<vmem>>, vector<1x256x128xf32>,
    %get3A_63 = arith.constant 1 : index
    %get3A_64 = memref.load %arg4[%get3A_63] : memref<3xf32, #tpu.memory_space<smem>>
    %slice3A_65 = vector.extract_strided_slice %concatenate3A {offsets = [0, 1], sizes = [256, 1], strides = [1, 1]} : vector<256x3xf32> to vector<256x1xf32>
    %reduce_sum3A_66 = vector.shape_cast %slice3A_65 : vector<256x1xf32> to vector<1x256x1xf32>
    %reduce_sum3A_67 = arith.constant dense<0.000000e+00> : vector<1xf32>
    %reduce_sum3A_68 = vector.multi_reduction <add>, %reduce_sum3A_66, %reduce_sum3A_67 [1, 2] : vector<1x256x1xf32> to vector<1xf32>
    %reduce_sum3A_69 = vector.shape_cast %reduce_sum3A_68 : vector<1xf32> to vector<1x1x1xf32>
    %reduce_sum3A_70 = vector.extract %reduce_sum3A_69[0, 0, 0] : f32 from vector<1x1x1xf32>
    %add3A_71 = arith.addf %get3A_64, %reduce_sum3A_70 : f32
    %swap3A_72 = arith.constant 1 : index
    %swap3A_73 = memref.load %arg4[%swap3A_72] : memref<3xf32, #tpu.memory_space<smem>>
    memref.store %add3A_71, %arg4[%swap3A_72] : memref<3xf32, #tpu.memory_space<smem>>
    %slice3A_74 = vector.extract_strided_slice %add3A {offsets = [512, 0], sizes = [256, 128], strides = [1, 1]} : vector<768x128xf32> to vector<256x128xf32>
    %slice3A_75 = vector.extract_strided_slice %dot_general3A_25 {offsets = [0, 2], sizes = [256, 1], strides = [1, 1]} : vector<256x3xf32> to vector<256x1xf32>
    %add3A_76 = vector.broadcast %slice3A_75 : vector<256x1xf32> to vector<256x128xf32>
    %add3A_77 = arith.addf %slice3A_74, %add3A_76 : vector<256x128xf32>
    %get3A_78 = arith.constant 2 : index
    %get3A_79 = memref.load %arg4[%get3A_78] : memref<3xf32, #tpu.memory_space<smem>>
    %add3A_80 = vector.broadcast %get3A_79 : f32 to vector<256x128xf32>
    %add3A_81 = arith.addf %add3A_77, %add3A_80 : vector<256x128xf32>
    %swap3A_82 = arith.constant 2 : index
    %swap3A_83 = arith.constant 0 : index
    %swap3A_84 = arith.constant 0 : index
    %swap3A_85 = vector.load %arg3[%swap3A_82, %swap3A_83, %swap3A_84] : memref<3x256x128xf32, #tpu.memory_space<vmem>>, vector<1x256x128xf32>
    %swap3A_86 = vector.shape_cast %swap3A_85 : vector<1x256x128xf32> to vector<256x128xf32>
    %swap3A_87 = vector.shape_cast %add3A_81 : vector<256x128xf32> to vector<1x256x128xf32>
    tpu.vector_store %arg3[%swap3A_82, %swap3A_83, %swap3A_84], %swap3A_87 {strides = array<i32>} : memref<3x256x128xf32, #tpu.memory_space<vmem>>, vector<1x256x128xf32>,
    %get3A_88 = arith.constant 2 : index
    %get3A_89 = memref.load %arg4[%get3A_88] : memref<3xf32, #tpu.memory_space<smem>>
    %slice3A_90 = vector.extract_strided_slice %concatenate3A {offsets = [0, 2], sizes = [256, 1], strides = [1, 1]} : vector<256x3xf32> to vector<256x1xf32>
    %reduce_sum3A_91 = vector.shape_cast %slice3A_90 : vector<256x1xf32> to vector<1x256x1xf32>
    %reduce_sum3A_92 = arith.constant dense<0.000000e+00> : vector<1xf32>
    %reduce_sum3A_93 = vector.multi_reduction <add>, %reduce_sum3A_91, %reduce_sum3A_92 [1, 2] : vector<1x256x1xf32> to vector<1xf32>
    %reduce_sum3A_94 = vector.shape_cast %reduce_sum3A_93 : vector<1xf32> to vector<1x1x1xf32>
    %reduce_sum3A_95 = vector.extract %reduce_sum3A_94[0, 0, 0] : f32 from vector<1x1x1xf32>
    %add3A_96 = arith.addf %get3A_89, %reduce_sum3A_95 : f32
    %swap3A_97 = arith.constant 2 : index
    %swap3A_98 = memref.load %arg4[%swap3A_97] : memref<3xf32, #tpu.memory_space<smem>>
    memref.store %add3A_96, %arg4[%swap3A_97] : memref<3xf32, #tpu.memory_space<smem>>
    return
  }
  func.func @transform_0(%arg0: i32) -> (i32, i32, i32) {
    %c0_i32 = arith.constant 0 : i32
    %c0_i32_0 = arith.constant 0 : i32
    %c0_i32_1 = arith.constant 0 : i32
    return %c0_i32, %arg0, %c0_i32_0 : i32, i32, i32
  }
  func.func @transform_1(%arg0: i32) -> (i32, i32) {
    %c0_i32 = arith.constant 0 : i32
    %c0_i32_0 = arith.constant 0 : i32
    return %arg0, %c0_i32 : i32, i32
  }
  func.func @transform_2(%arg0: i32) -> (i32, i32, i32) {
    %c0_i32 = arith.constant 0 : i32
    %c0_i32_0 = arith.constant 0 : i32
    %c0_i32_1 = arith.constant 0 : i32
    return %c0_i32, %arg0, %c0_i32_0 : i32, i32, i32
  }
}

</mosaic_0001>

<sc_bundles>
// kernel: kernel.4.cloned.1.call-start
scs
__scs_entry_jumppad:
0x0: {  	(pc) =	sbr.rel $0x88, $3  }
0x1: {  	(tag) =	ssettag $0x0;
	lr =	simm.s32 $0x1  }
0x2: {  	[smem:$0x3F9E] =	sst lr;
	_ =	strace $0xD0000000  }
0x3: {  	_ = 	snop  }
0x4: {  	_ = 	snop  }
0x5: {  	_ = 	snop  }
0x6: {  	_ = 	snop  }
0x7: {  	_ = 	snop  }
__scs_overlays_trampoline_lowered:
0x8: {  	[smem:$0x3FAD] =	sst s0  }
0x9: {  	[smem:$0x3FAE] =	sst s1  }
0xa: {  	[smem:$0x3FAF] =	sst s2  }
0xb: {  	[smem:$0x3FB0] =	sst s3  }
0xc: {  	[smem:$0x3FB1] =	sst s4  }
0xd: {  	[smem:$0x3FB2] =	sst s5  }
0xe: {  	[smem:$0x3FB3] =	sst s6  }
0xf: {  	[smem:$0x3FB4] =	sst s7  }
0x10: {  	[smem:$0x3FB5] =	sst s8  }
0x11: {  	[smem:$0x3FB6] =	sst s9;
	s0 =	simm.s32 @!p0 $0x0  }
0x12: {  	s1 =	sld [smem:$0x3F9C];
	s0 =	simm.s32 @p0 $0x1  }
0x13: {  	[smem:$0x3FB7] =	sst s0;
	s0 =	simm.s32 @!p1 $0x0  }
0x14: {  	s2 =	sld [smem:$0x3F9B];
	s0 =	simm.s32 @p1 $0x1  }
0x15: {  	[smem:$0x3FB8] =	sst s0;
	s0 =	simm.s32 @!p2 $0x0  }
0x16: {  	s3 =	sld [smem:$0x3FDB];
	s0 =	simm.s32 @p2 $0x1  }
0x17: {  	s4 =	simm.s32 $0x1BF5;
	[smem:$0x3FBA] =	sst s0  }
0x18: {  	s0 =	sld [smem:$0x3F9D];
	_ =	swait.ge [sflag:s4], $0x0  }
0x19: {  	s7 =	sld [smem:$0x3F9E]  }
0x1a: {  	s8 =	sadd.s32 $0xFFFFE003, lr  }
0x1b: {  	s9 =	sadd.s32 $0xFFFFFEF7, lr;
	s5 =	simm.s32 $0xFFFFFFFF;
	p2 =	slt.u32 s8, $0xFFFFF086  }
0x1c: {  	p1 =	slt.u32 s9, $0xF7A;
	s5 =	simm.s32 @!p2 $0x0  }
0x1d: {  	s5 =	simm.s32 @p1 $0x1;
	p0 =	seq.s32 s7, s2  }
0x1e: {  	s7 =	smul.u32 @!p0 $0xF7A, s2;
	p2 =	seq.s32 @!p0 s5, $0x0  }
0x1f: {  	s9 =	smul.u32 $0xF7A, s1;
	s8 =	simm.s32 @!p0 $0x1BF5;
	p2 =	por !p2, p0  }
0x20: {  	[sflag:s8] =	ssyncset.s32 @!p0 $0xFFFFF086;
	s6 =	sadd.s32 @!p0 s3, s7;
	s7 =	simm.s32 @!p0 $0x108  }
0x21: {  	s3 =	sadd.s32 s3, s9;
	s6 =	sadd.s32 @!p0 $0x88, s6;
	s7 =	simm.s32 @p2 $0x1082  }
0x22: {  	[simem:s7], [sflag:s8] =	dma.local @!p0 [hbm:s6], $0xF7A  }
0x23: {  	s9 =	sor.u32 $0xD0000000, s2;
	s6 =	simm.s32 $0x108;
	_ =	swait.ge @!p0 [sflag:s8], $0x0  }
0x24: {  	s3 =	sadd.s32 $0x88, s3;
	s6 =	simm.s32 @!p1 $0x1082;
	[sflag:s4] =	ssyncset.s32 $0xFFFFF086  }
0x25: {  	[simem:s6], [sflag:s4] =	dma.local [hbm:s3], $0xF7A  }
0x26: {  	[smem:$0x3F9E] =	sst s1;
	(tag) =	ssettag s2;
	_ =	strace s9  }
0x27: {  	s1 =	sld [smem:$0x3FAE]  }
0x28: {  	s2 =	sld [smem:$0x3FAF]  }
0x29: {  	s4 =	sld [smem:$0x3FB1]  }
0x2a: {  	p0 =	seq.s32 s5, $0x0;
	s5 =	sld [smem:$0x3FB2]  }
0x2b: {  	s6 =	sld [smem:$0x3FB3]  }
0x2c: {  	s7 =	sld [smem:$0x3FB4]  }
0x2d: {  	s3 =	simm.s32 $0x108;
	s8 =	sld [smem:$0x3FB5]  }
0x2e: {  	s3 =	simm.s32 @!p0 $0x1082;
	s9 =	sld [smem:$0x3FB6]  }
0x2f: {  	lr =	sadd.s32 s0, s3;
	s0 =	sld [smem:$0x3FAD]  }
0x30: {  	s3 =	sld [smem:$0x3FB0]  }
0x31: {  	[smem:$0x3FB9] =	sst s10  }
0x32: {  	s10 =	sld [smem:$0x3FB7];
	_ =	sdelay $0x3  }
0x33: {  	p0 =	seq.s32 s10, $0x1;
	s10 =	sld [smem:$0x3FB9];
	_ =	sdelay $0x3  }
0x34: {  	[smem:$0x3FB9] =	sst s10  }
0x35: {  	s10 =	sld [smem:$0x3FB8];
	_ =	sdelay $0x3  }
0x36: {  	p1 =	seq.s32 s10, $0x1;
	s10 =	sld [smem:$0x3FB9];
	_ =	sdelay $0x3  }
0x37: {  	[smem:$0x3FB9] =	sst s10  }
0x38: {  	s10 =	sld [smem:$0x3FBA]  }
0x39: {  	_ = 	snop;
	(pc) =	sbr.ind lr, $3  }
0x3a: {  	_ = 	snop  }
0x3b: {  	_ = 	snop  }
0x3c: {  	p2 =	seq.s32 s10, $0x1;
	s10 =	sld [smem:$0x3FB9]  }
0x3d: {  	_ =	shalt  }
0x3e: {  	_ =	shalt  }
0x3f: {  	_ =	shalt  }
0x40: {  	_ =	shalt  }
0x41: {  	_ =	shalt  }
0x42: {  	_ =	shalt  }
0x43: {  	_ =	shalt  }
0x44: {  	_ =	shalt  }
0x45: {  	_ =	shalt  }
0x46: {  	_ =	shalt  }
0x47: {  	_ =	shalt  }
0x48: {  	_ =	shalt  }
0x49: {  	_ =	shalt  }
0x4a: {  	_ =	shalt  }
0x4b: {  	_ =	shalt  }
0x4c: {  	_ =	shalt  }
0x4d: {  	_ =	shalt  }
0x4e: {  	_ =	shalt  }
0x4f: {  	_ =	shalt  }
0x50: {  	_ =	shalt  }
0x51: {  	_ =	shalt  }
0x52: {  	_ =	shalt  }
0x53: {  	_ =	shalt  }
0x54: {  	_ =	shalt  }
0x55: {  	_ =	shalt  }
0x56: {  	_ =	shalt  }
0x57: {  	_ =	shalt  }
0x58: {  	_ =	shalt  }
0x59: {  	_ =	shalt  }
0x5a: {  	_ =	shalt  }
0x5b: {  	_ =	shalt  }
0x5c: {  	_ =	shalt  }
0x5d: {  	_ =	shalt  }
0x5e: {  	_ =	shalt  }
0x5f: {  	_ =	shalt  }
0x60: {  	_ =	shalt  }
0x61: {  	_ =	shalt  }
0x62: {  	_ =	shalt  }
0x63: {  	_ =	shalt  }
0x64: {  	_ =	shalt  }
0x65: {  	_ =	shalt  }
0x66: {  	_ =	shalt  }
0x67: {  	_ =	shalt  }
0x68: {  	_ =	shalt  }
0x69: {  	_ =	shalt  }
0x6a: {  	_ =	shalt  }
0x6b: {  	_ =	shalt  }
0x6c: {  	_ =	shalt  }
0x6d: {  	_ =	shalt  }
0x6e: {  	_ =	shalt  }
0x6f: {  	_ =	shalt  }
0x70: {  	_ =	shalt  }
0x71: {  	_ =	shalt  }
0x72: {  	_ =	shalt  }
0x73: {  	_ =	shalt  }
0x74: {  	_ =	shalt  }
0x75: {  	_ =	shalt  }
0x76: {  	_ =	shalt  }
0x77: {  	_ =	shalt  }
0x78: {  	_ =	shalt  }
0x79: {  	_ =	shalt  }
0x7a: {  	_ =	shalt  }
0x7b: {  	_ =	shalt  }
0x7c: {  	_ =	shalt  }
0x7d: {  	_ =	shalt  }
0x7e: {  	_ =	shalt  }
0x7f: {  	_ =	shalt  }
0x80: {  	_ =	shalt  }
0x81: {  	_ =	shalt  }
0x82: {  	_ =	shalt  }
0x83: {  	_ =	shalt  }
0x84: {  	_ =	shalt  }
0x85: {  	_ =	shalt  }
0x86: {  	_ =	shalt  }
0x87: {  	_ =	shalt  }
.Lfunc_end0:
.L_simem_size_0:
called_computation_lowered:
.L_overlay_start_0:
0x88: {  	s2 =	sld [smem:$0x3FD9]  }
0x89: {  	s3 =	sld [smem:$0x3FFE];
	_ =	sdelay $0x1  }
0x8a: {  	s1 =	srdreg.scid  }
0x8b: {  	s0 =	sand.u32 $0x1, s1  }
0x8c: {  	s17 =	sshll.u32 s0, $0xA;
	s2 =	sadd.s32 s3, s2  }
0x8d: {  	s2 =	sadd.s32 s2, s17  }
0x8e: {  	[smem:$0x3FC5] =	sst s2  }
0x8f: {  	_ = 	snop  }
0x90: {  	s2 =	sld [smem:$0x3FD0];
	(tm) =	ssettm $0x1  }
0x91: {  	s18 =	sld [smem:$0x3FFB];
	_ =	sdelay $0x3  }
0x92: {  	_ =	strace s18  }
0x93: {  	s3 =	sld [smem:$0x3FFC];
	_ =	sdelay $0x3  }
0x94: {  	_ =	strace s3  }
0x95: {  	s3 =	sld [smem:$0x3FFD];
	_ =	sdelay $0x3  }
0x96: {  	_ =	strace s3  }
0x97: {  	_ =	strace $0x8FFFFFFF  }
0x98: {  	s19 =	sld [smem:$0x3FDB];
	_ =	sdelay $0x1  }
0x99: {  	s4 =	simm.s32 $_scs_section_size  }
0x9a: {  	s5 =	simm.s32 $_size__tile_overlayer_lowered;
	s6 =	simm.s32 $_tile_overlayer_lowered  }
0x9b: {  	s22 =	simm.s32 $0x1BFF;
	s21 =	sshll.u32 s6, $0x1;
	s3 =	sadd.s32 s4, s19  }
0x9c: {  	s7 =	simm.s32 $0x0;
	s20 =	sshll.u32 s5, $0x1;
	s5 =	sadd.s32 s21, s3  }
0x9d: {  	[timem:s7], [sflag:s22] =	dma.local [hbm:s5], s20  }
0x9e: {  	_ =	swait.ge [sflag:s22], s20  }
0x9f: {  	s4 =	ssub.s32 $0x0, s20;
	[sflag:s22] =	ssyncset.done $0x0  }
0xa0: {  	[sflag:s22] =	ssyncadd.s32 s4;
	_ =	sdelay $0x1  }
0xa1: {  	s23 =	simm.s32 $0x1B8B  }
0xa2: {  	_ =	swait.ge [sflag:s23], $0x1  }
0xa3: {  	[sflag:s23] =	ssyncset.done $0x0  }
0xa4: {  	s25 =	simm.s32 $0x1B8E;
	s24 =	sld [smem:$0x3FFE];
	[sflag:s23] =	ssyncadd.s32 $0xFFFFFFFF  }
0xa5: {  	s26 =	simm.s32 $execute0_lowered;
	[smem:$0x3FD2] =	sst s25  }
0xa6: {  	s5 =	sshll.u32 s26, $0x1;
	_ =	strace $0x80000046;
	[dreg:$0x1] =	wrdreg $0xFFFFFFFF  }
0xa7: {  	s28 =	simm.s32 $_size_execute0_lowered;
	s3 =	sadd.s32 s3, s5;
	[dreg:$0x0] =	wrdreg $0x0  }
0xa8: {  	s5 =	sshll.u32 s28, $0x1;
	[dreg:$0x2] =	wrdreg s3  }
0xa9: {  	[dreg:$0x3] =	wrdreg s5  }
0xaa: {  	[dreg:$0x4] =	wrdreg $0xC0  }
0xab: {  	_ =	task [dreg:s7], $0x5FFFF  }
0xac: {  	[dreg:$0x1] =	wrdreg $0xFFFFFFFF  }
0xad: {  	[dreg:$0x0] =	wrdreg $0x60  }
0xae: {  	[dreg:$0x2] =	wrdreg s24  }
0xaf: {  	[dreg:$0x3] =	wrdreg s2  }
0xb0: {  	[dreg:$0x4] =	wrdreg $0x9  }
0xb1: {  	_ =	task.clear_ibuf [dreg:s7], $0x5FFFF;
	_ =	strace $0x90000046  }
0xb2: {  	s29 =	simm.s32 $0x9;
	_ =	strace $0x80000048  }
0xb3: {  	_ =	swait.ge [sflag:s29], $0x1  }
0xb4: {  	[sflag:s29] =	ssyncadd.s32 $0xFFFFFFFF  }
0xb5: {  	_ =	strace $0x90000048  }
0xb6: {  	_ =	sfence  }
0xb7: {  	s30 =	sld [smem:$0x0];
	_ =	sdelay $0x2  }
0xb8: {  	s31 =	sshll.u32 s1, $0xD;
	s1 =	sshrl.u32 s1, $0x2  }
0xb9: {  	s3 =	sand.u32 $0x4000, s31;
	s1 =	sadd.s32 s1, s30  }
0xba: {  	s0 =	sor.u32 s3, s0;
	s1 =	sshll.u32 s1, $0x11  }
0xbb: {  	s0 =	sor.u32 s1, s0  }
0xbc: {  	s0 =	sadd.s32 $0x8F2B, s0  }
0xbd: {  	[sflag:s0] =	ssyncadd.remote.s32 $0x1  }
0xbe: {  	_ =	sfence.sel $0xFFFF  }
0xbf: {  	[dreg:$0x0] =	wrdreg $0xFFFFFFFF;
	(pc) =	sbr.abs _section_cstart, $3  }
0xc0: {  	[dreg:$0x1] =	wrdreg $0xFFFFFFFF  }
0xc1: {  	_ =	task.clear_ibuf [dreg:s7], $0x2FFFF;
	_ =	strace $0x9FFFFFFF  }
0xc2: {  	(tm) =	ssettm $0x7FFFFFFF  }
0xc3: {  	_ =	shalt  }
tec
execute0_lowered:
.L_overlay_start_1:
0x0: {  	(tag) =	ssettag $0x1  }
0x1: {  	s4 =	rddreg [dreg:$0x0]  }
0x2: {  	s5 =	rddreg [dreg:$0x1]  }
0x3: {  	s0 =	rddreg [dreg:$0x2];
	s3 =	srdreg.scid  }
0x4: {  	s2 =	simm.s32 $0x0;
	s1 =	stileid.u32;
	s10 =	simm.s32 $0x330  }
0x5: {  	s11 =	simm.s32 $0x180;
	s12 =	simm.s32 $0x680;
	s13 =	simm.s32 $0x1  }
0x6: {  	s14 =	simm.s32 $0xA00;
	s3 =	sand.u32 $0x1, s3;
	[smem:$0x7FF] =	sst s2  }
0x7: {  	s6 =	sshll.u32 s1, $0x6;
	s7 =	sshll.u32 s3, $0x5;
	s30 =	ssub.s32 $0x2, s3  }
0x8: {  	_ =	strace $0x80000047;
	s6 =	sor.u32 s7, s6;
	s31 =	sshrl.u32 s30, $0x1  }
0x9: {  	s3 =	sadd.s32 $0xE00, s4;
	s8 =	sadd.s32 s6, s4;
	s9 =	ssub.s32 s30, s31  }
0xa: {  	s4 =	sadd.s32 s5, s6;
	s5 =	sadd.s32 $0x18E00, s8;
	s6 =	sadd.s32 $0x19200, s8  }
0xb: {  	v0 =	vimm.f32 $0.0e+00;
	s7 =	sadd.s32 $0x19600, s8;
	s8 =	smax.u32 s9, $0x1;
	s9 =	simm.s32 $0x2  }
.LBB2_1:
0xc: {  	[tilespmem:s2], [sflag:$0x2] =	stream.linear.gather [hbm4b:s4+s2], $0x110, $0x38;
	[tilespmem:$0xB00] =	vst v63  }
0xd: {  	_ =	swait.ge [sflag:s9], $0x110  }
0xe: {  	[sflag:s9] =	ssyncset.done $0x0  }
0xf: {  	[sflag:s9] =	ssyncadd.s32 $0xFFFFFEF0  }
0x10: {  	v1 =	vld [tilespmem:$0x0]  }
0x11: {  	v2 =	vld [tilespmem:$0x10];
	_ =	sdelay $0x3  }
0x12: {  	v3 =	vadd.s32 $0xFFFFFFFF, v1  }
0x13: {  	vm7 =	vgt.s32 v1, $0x0;
	v1 =	vadd.s32 $0xFFFFFFFF, v2;
	vm0 =	vgt.s32 v3, $0x0  }
0x14: {  	vm8 =	vgt.s32 v1, $0x0;
	v3 =	vnsel vm0, $0x0, v3  }
0x15: {  	v5 =	vld [tilespmem:$0x20];
	v1 =	vnsel vm8, $0x0, v1;
	[tilespmem:$0x180] =	vst v3  }
0x16: {  	v4 =	vadd.s32 $0x40000, v3;
	[tilespmem:$0x190] =	vst v1  }
0x17: {  	v3 =	vadd.s32 $0x80000, v3;
	[tilespmem:$0x290] =	vst v4  }
0x18: {  	[tilespmem:$0x3A0] =	vst v3;
	v3 =	vsel vm7, $0x3F800000, v0  }
0x19: {  	v53 =	vld [tilespmem:$0x30];
	[tilespmem:$0x500] =	vst v3;
	v3 =	vadd.s32 $0x40000, v1  }
0x1a: {  	vm9 =	vgt.s32 v2, $0x0;
	v2 =	vadd.s32 $0xFFFFFFFF, v5;
	v1 =	vadd.s32 $0x80000, v1;
	[tilespmem:$0x2A0] =	vst v3  }
0x1b: {  	vm10 =	vgt.s32 v2, $0x0;
	[tilespmem:$0x3B0] =	vst v1;
	v1 =	vsel vm9, $0x3F800000, v0  }
0x1c: {  	[tilespmem:$0x510] =	vst v1;
	v1 =	vnsel vm10, $0x0, v2  }
0x1d: {  	v3 =	vld [tilespmem:$0x40];
	[tilespmem:$0x1A0] =	vst v1;
	v2 =	vadd.s32 $0x40000, v1  }
0x1e: {  	vm11 =	vgt.s32 v5, $0x0;
	v1 =	vadd.s32 $0x80000, v1;
	[tilespmem:$0x2B0] =	vst v2;
	v2 =	vadd.s32 $0xFFFFFFFF, v53  }
0x1f: {  	[tilespmem:$0x3C0] =	vst v1;
	v1 =	vsel vm11, $0x3F800000, v0;
	vm12 =	vgt.s32 v2, $0x0  }
0x20: {  	[tilespmem:$0x520] =	vst v1;
	v1 =	vnsel vm12, $0x0, v2  }
0x21: {  	v54 =	vld [tilespmem:$0x50];
	[tilespmem:$0x1B0] =	vst v1;
	v2 =	vadd.s32 $0x40000, v1  }
0x22: {  	vm13 =	vgt.s32 v53, $0x0;
	v1 =	vadd.s32 $0x80000, v1;
	[tilespmem:$0x2C0] =	vst v2;
	v2 =	vadd.s32 $0xFFFFFFFF, v3  }
0x23: {  	[tilespmem:$0x3D0] =	vst v1;
	v1 =	vsel vm13, $0x3F800000, v0;
	vm14 =	vgt.s32 v2, $0x0  }
0x24: {  	[tilespmem:$0x530] =	vst v1;
	v1 =	vnsel vm14, $0x0, v2  }
0x25: {  	v55 =	vld [tilespmem:$0x60];
	[tilespmem:$0x1C0] =	vst v1;
	v2 =	vadd.s32 $0x40000, v1  }
0x26: {  	vm15 =	vgt.s32 v3, $0x0;
	v1 =	vadd.s32 $0x80000, v1;
	[tilespmem:$0x2D0] =	vst v2;
	v2 =	vadd.s32 $0xFFFFFFFF, v54  }
0x27: {  	[tilespmem:$0x3E0] =	vst v1;
	v1 =	vsel vm15, $0x3F800000, v0;
	vm4 =	vgt.s32 v2, $0x0  }
0x28: {  	[tilespmem:$0x540] =	vst v1;
	v1 =	vnsel vm4, $0x0, v2  }
0x29: {  	v3 =	vld [tilespmem:$0x70];
	[tilespmem:$0x1D0] =	vst v1;
	v2 =	vadd.s32 $0x40000, v1  }
0x2a: {  	vm5 =	vgt.s32 v54, $0x0;
	v1 =	vadd.s32 $0x80000, v1;
	[tilespmem:$0x2E0] =	vst v2;
	v2 =	vadd.s32 $0xFFFFFFFF, v55  }
0x2b: {  	[tilespmem:$0x3F0] =	vst v1;
	v1 =	vsel vm5, $0x3F800000, v0;
	vm6 =	vgt.s32 v2, $0x0  }
0x2c: {  	[tilespmem:$0x550] =	vst v1;
	v1 =	vnsel vm6, $0x0, v2  }
0x2d: {  	v56 =	vld [tilespmem:$0x80];
	[tilespmem:$0x1E0] =	vst v1;
	v2 =	vadd.s32 $0x40000, v1  }
0x2e: {  	vm7 =	vgt.s32 v55, $0x0;
	v1 =	vadd.s32 $0x80000, v1;
	[tilespmem:$0x2F0] =	vst v2;
	v2 =	vadd.s32 $0xFFFFFFFF, v3  }
0x2f: {  	[tilespmem:$0x400] =	vst v1;
	v1 =	vsel vm7, $0x3F800000, v0;
	vm8 =	vgt.s32 v2, $0x0  }
0x30: {  	[tilespmem:$0x560] =	vst v1;
	v1 =	vnsel vm8, $0x0, v2  }
0x31: {  	v57 =	vld [tilespmem:$0x90];
	[tilespmem:$0x1F0] =	vst v1;
	v2 =	vadd.s32 $0x40000, v1  }
0x32: {  	vm9 =	vgt.s32 v3, $0x0;
	v1 =	vadd.s32 $0x80000, v1;
	[tilespmem:$0x300] =	vst v2;
	v2 =	vadd.s32 $0xFFFFFFFF, v56  }
0x33: {  	[tilespmem:$0x410] =	vst v1;
	v1 =	vsel vm9, $0x3F800000, v0;
	vm10 =	vgt.s32 v2, $0x0  }
0x34: {  	[tilespmem:$0x570] =	vst v1;
	v1 =	vnsel vm10, $0x0, v2  }
0x35: {  	v3 =	vld [tilespmem:$0xA0];
	[tilespmem:$0x200] =	vst v1;
	v2 =	vadd.s32 $0x40000, v1  }
0x36: {  	vm11 =	vgt.s32 v56, $0x0;
	v1 =	vadd.s32 $0x80000, v1;
	[tilespmem:$0x310] =	vst v2;
	v2 =	vadd.s32 $0xFFFFFFFF, v57  }
0x37: {  	[tilespmem:$0x420] =	vst v1;
	v1 =	vsel vm11, $0x3F800000, v0;
	vm12 =	vgt.s32 v2, $0x0  }
0x38: {  	[tilespmem:$0x580] =	vst v1;
	v1 =	vnsel vm12, $0x0, v2  }
0x39: {  	v58 =	vld [tilespmem:$0xB0];
	[tilespmem:$0x210] =	vst v1;
	v2 =	vadd.s32 $0x40000, v1  }
0x3a: {  	vm13 =	vgt.s32 v57, $0x0;
	v1 =	vadd.s32 $0x80000, v1;
	[tilespmem:$0x320] =	vst v2;
	v2 =	vadd.s32 $0xFFFFFFFF, v3  }
0x3b: {  	[tilespmem:$0x430] =	vst v1;
	v1 =	vsel vm13, $0x3F800000, v0;
	vm14 =	vgt.s32 v2, $0x0  }
0x3c: {  	[tilespmem:$0x590] =	vst v1;
	v1 =	vnsel vm14, $0x0, v2  }
0x3d: {  	v59 =	vld [tilespmem:$0xC0];
	[tilespmem:$0x220] =	vst v1;
	v2 =	vadd.s32 $0x40000, v1  }
0x3e: {  	vm15 =	vgt.s32 v3, $0x0;
	v1 =	vadd.s32 $0x80000, v1;
	[tilespmem:$0x330] =	vst v2;
	v2 =	vadd.s32 $0xFFFFFFFF, v58  }
0x3f: {  	[tilespmem:$0x440] =	vst v1;
	v1 =	vsel vm15, $0x3F800000, v0;
	vm4 =	vgt.s32 v2, $0x0  }
0x40: {  	[tilespmem:$0x5A0] =	vst v1;
	v1 =	vnsel vm4, $0x0, v2  }
0x41: {  	v3 =	vld [tilespmem:$0xD0];
	[tilespmem:$0x230] =	vst v1;
	v2 =	vadd.s32 $0x40000, v1  }
0x42: {  	vm5 =	vgt.s32 v58, $0x0;
	v1 =	vadd.s32 $0x80000, v1;
	[tilespmem:$0x340] =	vst v2;
	v2 =	vadd.s32 $0xFFFFFFFF, v59  }
0x43: {  	[tilespmem:$0x450] =	vst v1;
	v1 =	vsel vm5, $0x3F800000, v0;
	vm6 =	vgt.s32 v2, $0x0  }
0x44: {  	[tilespmem:$0x5B0] =	vst v1;
	v1 =	vnsel vm6, $0x0, v2  }
0x45: {  	v60 =	vld [tilespmem:$0xE0];
	[tilespmem:$0x240] =	vst v1;
	v2 =	vadd.s32 $0x40000, v1  }
0x46: {  	vm7 =	vgt.s32 v59, $0x0;
	v1 =	vadd.s32 $0x80000, v1;
	[tilespmem:$0x350] =	vst v2;
	v2 =	vadd.s32 $0xFFFFFFFF, v3  }
0x47: {  	[tilespmem:$0x460] =	vst v1;
	v1 =	vsel vm7, $0x3F800000, v0;
	vm8 =	vgt.s32 v2, $0x0  }
0x48: {  	[tilespmem:$0x5C0] =	vst v1;
	v1 =	vnsel vm8, $0x0, v2  }
0x49: {  	v61 =	vld [tilespmem:$0xF0];
	[tilespmem:$0x250] =	vst v1;
	v2 =	vadd.s32 $0x40000, v1  }
0x4a: {  	vm9 =	vgt.s32 v3, $0x0;
	v1 =	vadd.s32 $0x80000, v1;
	[tilespmem:$0x360] =	vst v2;
	v2 =	vadd.s32 $0xFFFFFFFF, v60  }
0x4b: {  	[tilespmem:$0x470] =	vst v1;
	v1 =	vsel vm9, $0x3F800000, v0;
	vm10 =	vgt.s32 v2, $0x0  }
0x4c: {  	[tilespmem:$0x5D0] =	vst v1;
	v1 =	vnsel vm10, $0x0, v2  }
0x4d: {  	v3 =	vld [tilespmem:$0x100];
	[tilespmem:$0x260] =	vst v1;
	v2 =	vadd.s32 $0x40000, v1  }
0x4e: {  	vm11 =	vgt.s32 v60, $0x0;
	v1 =	vadd.s32 $0x80000, v1;
	[tilespmem:$0x370] =	vst v2;
	v2 =	vadd.s32 $0xFFFFFFFF, v61  }
0x4f: {  	[tilespmem:$0x480] =	vst v1;
	v1 =	vsel vm11, $0x3F800000, v0;
	vm12 =	vgt.s32 v2, $0x0  }
0x50: {  	[tilespmem:$0x5E0] =	vst v1;
	v1 =	vnsel vm12, $0x0, v2  }
0x51: {  	[tilespmem:$0x270] =	vst v1;
	v2 =	vadd.s32 $0x40000, v1  }
0x52: {  	vm13 =	vgt.s32 v61, $0x0;
	v1 =	vadd.s32 $0x80000, v1;
	[tilespmem:$0x380] =	vst v2;
	v2 =	vadd.s32 $0xFFFFFFFF, v3  }
0x53: {  	[tilespmem:$0x490] =	vst v1;
	v1 =	vsel vm13, $0x3F800000, v0;
	vm14 =	vgt.s32 v2, $0x0  }
0x54: {  	[tilespmem:$0x5F0] =	vst v1;
	v1 =	vnsel vm14, $0x0, v2  }
0x55: {  	[tilespmem:$0x280] =	vst v1;
	v2 =	vadd.s32 $0x40000, v1  }
0x56: {  	vm15 =	vgt.s32 v3, $0x0;
	v1 =	vadd.s32 $0x80000, v1;
	[tilespmem:$0x390] =	vst v2  }
0x57: {  	[tilespmem:$0x4A0] =	vst v1;
	v1 =	vsel vm15, $0x3F800000, v0  }
0x58: {  	[tilespmem:$0x600] =	vst v1  }
0x59: {  	[tilespmem:s12], [sflag:$0x1] =	stream.indirect.gather [hbm4b:s3+s10], $0x1, s11, s10, $0xb8;
	[tilespmem:$0xB00] =	vst v63  }
0x5a: {  	_ =	swait.ge [sflag:s13], $0x330  }
0x5b: {  	[sflag:s13] =	ssyncset.done $0x0  }
0x5c: {  	[sflag:s13] =	ssyncadd.s32 $0xFFFFFCD0  }
0x5d: {  	v1 =	vld [tilespmem:$0x500]  }
0x5e: {  	v2 =	vld [tilespmem:$0x501]  }
0x5f: {  	v3 =	vld [tilespmem:$0x680]  }
0x60: {  	v62 =	vld [tilespmem:$0x681]  }
0x61: {  	v63 =	vld [tilespmem:$0x510]  }
0x62: {  	v6 =	vld [tilespmem:$0x511]  }
0x63: {  	v7 =	vld [tilespmem:$0x690]  }
0x64: {  	v8 =	vld [tilespmem:$0x691]  }
0x65: {  	v9 =	vld [tilespmem:$0x520]  }
0x66: {  	v10 =	vld [tilespmem:$0x521]  }
0x67: {  	v11 =	vld [tilespmem:$0x6A0]  }
0x68: {  	v12 =	vld [tilespmem:$0x6A1]  }
0x69: {  	v13 =	vld [tilespmem:$0x530]  }
0x6a: {  	v14 =	vld [tilespmem:$0x531]  }
0x6b: {  	v15 =	vld [tilespmem:$0x6B0]  }
0x6c: {  	v16 =	vld [tilespmem:$0x6B1]  }
0x6d: {  	v17 =	vld [tilespmem:$0x540]  }
0x6e: {  	v18 =	vld [tilespmem:$0x541]  }
0x6f: {  	v19 =	vld [tilespmem:$0x6C0]  }
0x70: {  	v20 =	vld [tilespmem:$0x6C1]  }
0x71: {  	v21 =	vld [tilespmem:$0x550]  }
0x72: {  	v22 =	vld [tilespmem:$0x551]  }
0x73: {  	v23 =	vld [tilespmem:$0x6D0]  }
0x74: {  	v24 =	vld [tilespmem:$0x6D1]  }
0x75: {  	v25 =	vld [tilespmem:$0x560]  }
0x76: {  	v26 =	vld [tilespmem:$0x561]  }
0x77: {  	v27 =	vld [tilespmem:$0x6E0]  }
0x78: {  	v28 =	vld [tilespmem:$0x6E1]  }
0x79: {  	v29 =	vld [tilespmem:$0x570]  }
0x7a: {  	v30 =	vld [tilespmem:$0x571]  }
0x7b: {  	v31 =	vld [tilespmem:$0x6F0]  }
0x7c: {  	v32 =	vld [tilespmem:$0x6F1]  }
0x7d: {  	v33 =	vld [tilespmem:$0x580]  }
0x7e: {  	v34 =	vld [tilespmem:$0x581]  }
0x7f: {  	v35 =	vld [tilespmem:$0x700]  }
0x80: {  	v36 =	vld [tilespmem:$0x701]  }
0x81: {  	v37 =	vld [tilespmem:$0x590]  }
0x82: {  	v38 =	vld [tilespmem:$0x591]  }
0x83: {  	v39 =	vld [tilespmem:$0x710]  }
0x84: {  	v40 =	vld [tilespmem:$0x711]  }
0x85: {  	v41 =	vld [tilespmem:$0x5A0]  }
0x86: {  	v42 =	vld [tilespmem:$0x5A1]  }
0x87: {  	v43 =	vld [tilespmem:$0x720]  }
0x88: {  	v44 =	vld [tilespmem:$0x721]  }
0x89: {  	v45 =	vld [tilespmem:$0x5B0]  }
0x8a: {  	v46 =	vld [tilespmem:$0x5B1]  }
0x8b: {  	v47 =	vld [tilespmem:$0x730]  }
0x8c: {  	v48 =	vld [tilespmem:$0x731]  }
0x8d: {  	v49 =	vld [tilespmem:$0x5C0]  }
0x8e: {  	v50 =	vld [tilespmem:$0x5C1]  }
0x8f: {  	v51 =	vld [tilespmem:$0x740]  }
0x90: {  	v52 =	vld [tilespmem:$0x741]  }
0x91: {  	v53 =	vld [tilespmem:$0x5D0];
	v1 =	vmul.f32 v3, v1;
	v2 =	vmul.f32 v62, v2  }
0x92: {  	v56 =	vld [tilespmem:$0x750];
	v54 =	vmul.f32 v7, v63;
	v55 =	vmul.f32 v8, v6  }
0x93: {  	v58 =	vld [tilespmem:$0x751];
	v57 =	vmul.f32 v12, v10;
	v59 =	vmul.f32 v15, v13  }
0x94: {  	v61 =	vld [tilespmem:$0x5E0];
	v60 =	vmul.f32 v16, v14;
	v1 =	vsub.f32 v2, v1;
	v2 =	vmul.f32 v11, v9  }
0x95: {  	v3 =	vld [tilespmem:$0x5D1];
	v62 =	vmul.f32 v20, v18;
	v21 =	vmul.f32 v23, v21;
	v4 =	vsub.f32 v55, v54  }
0x96: {  	v63 =	vld [tilespmem:$0x5E1];
	v23 =	vmul.f32 v24, v22;
	[tilespmem:$0xA00] =	vst v1;
	v1 =	vsub.f32 v57, v2;
	v2 =	vmul.f32 v19, v17  }
0x97: {  	v24 =	vld [tilespmem:$0x760];
	v26 =	vmul.f32 v28, v26;
	v29 =	vmul.f32 v31, v29;
	v20 =	vsub.f32 v60, v59;
	[tilespmem:$0xA10] =	vst v4  }
0x98: {  	v31 =	vmul.f32 v32, v30;
	v32 =	vld [tilespmem:$0x5F0];
	[tilespmem:$0xA20] =	vst v1;
	v1 =	vsub.f32 v62, v2;
	v2 =	vmul.f32 v27, v25  }
0x99: {  	v37 =	vmul.f32 v39, v37;
	v39 =	vmul.f32 v40, v38;
	v40 =	vld [tilespmem:$0x770];
	v28 =	vsub.f32 v23, v21;
	[tilespmem:$0xA30] =	vst v20  }
0x9a: {  	v34 =	vmul.f32 v36, v34;
	v27 =	vld [tilespmem:$0x761];
	[tilespmem:$0xA40] =	vst v1;
	v1 =	vsub.f32 v26, v2;
	v2 =	vmul.f32 v35, v33  }
0x9b: {  	v42 =	vmul.f32 v44, v42;
	v36 =	vsub.f32 v31, v29;
	[tilespmem:$0xA50] =	vst v28;
	v35 =	vld [tilespmem:$0x5F1]  }
0x9c: {  	v50 =	vmul.f32 v52, v50;
	[tilespmem:$0xA60] =	vst v1;
	v1 =	vsub.f32 v34, v2;
	v2 =	vmul.f32 v43, v41;
	v43 =	vld [tilespmem:$0x771]  }
0x9d: {  	v52 =	vmul.f32 v56, v53;
	v44 =	vsub.f32 v39, v37;
	[tilespmem:$0xA70] =	vst v36;
	v3 =	vmul.f32 v58, v3  }
0x9e: {  	[tilespmem:$0xA80] =	vst v1;
	v1 =	vsub.f32 v42, v2;
	v2 =	vmul.f32 v51, v49  }
0x9f: {  	v47 =	vmul.f32 v47, v45;
	v48 =	vmul.f32 v48, v46;
	[tilespmem:$0xA90] =	vst v44;
	v3 =	vsub.f32 v3, v52  }
0xa0: {  	v53 =	vmul.f32 v27, v63;
	[tilespmem:$0xAA0] =	vst v1;
	v1 =	vsub.f32 v50, v2;
	v2 =	vmul.f32 v24, v61  }
0xa1: {  	v54 =	vmul.f32 v40, v32;
	[tilespmem:$0xAD0] =	vst v3;
	v51 =	vsub.f32 v48, v47;
	v55 =	vmul.f32 v43, v35  }
0xa2: {  	[tilespmem:$0xAC0] =	vst v1;
	v1 =	vsub.f32 v53, v2  }
0xa3: {  	[tilespmem:$0xAB0] =	vst v51;
	v2 =	vsub.f32 v55, v54  }
0xa4: {  	[tilespmem:$0xAE0] =	vst v1  }
0xa5: {  	[tilespmem:$0xAF0] =	vst v2  }
0xa6: {  	[hbm4b:s5+s2] =	stream.linear.scatter [tilespmem:s14], [sflag:$0x2], $0x100, $0x38;
	[tilespmem:$0xB00] =	vst v63  }
0xa7: {  	_ =	swait.ge [sflag:s9], $0x100  }
0xa8: {  	[sflag:s9] =	ssyncset.done $0x0  }
0xa9: {  	[sflag:s9] =	ssyncadd.s32 $0xFFFFFF00  }
0xaa: {  	v1 =	vld [tilespmem:$0x500]  }
0xab: {  	v2 =	vld [tilespmem:$0x501]  }
0xac: {  	v3 =	vld [tilespmem:$0x790]  }
0xad: {  	v4 =	vld [tilespmem:$0x791]  }
0xae: {  	v5 =	vld [tilespmem:$0x510]  }
0xaf: {  	v6 =	vld [tilespmem:$0x511]  }
0xb0: {  	v7 =	vld [tilespmem:$0x7A0]  }
0xb1: {  	v56 =	vld [tilespmem:$0x7A1]  }
0xb2: {  	v9 =	vld [tilespmem:$0x520]  }
0xb3: {  	v10 =	vld [tilespmem:$0x521]  }
0xb4: {  	v57 =	vld [tilespmem:$0x7B0]  }
0xb5: {  	v58 =	vld [tilespmem:$0x7B1]  }
0xb6: {  	v59 =	vld [tilespmem:$0x530]  }
0xb7: {  	v14 =	vld [tilespmem:$0x531]  }
0xb8: {  	v60 =	vld [tilespmem:$0x7C0]  }
0xb9: {  	v61 =	vld [tilespmem:$0x7C1]  }
0xba: {  	v17 =	vld [tilespmem:$0x540]  }
0xbb: {  	v18 =	vld [tilespmem:$0x541]  }
0xbc: {  	v62 =	vld [tilespmem:$0x7D0]  }
0xbd: {  	v63 =	vld [tilespmem:$0x7D1]  }
0xbe: {  	v21 =	vld [tilespmem:$0x550]  }
0xbf: {  	v22 =	vld [tilespmem:$0x551]  }
0xc0: {  	v23 =	vld [tilespmem:$0x7E0]  }
0xc1: {  	v24 =	vld [tilespmem:$0x7E1]  }
0xc2: {  	v25 =	vld [tilespmem:$0x560]  }
0xc3: {  	v26 =	vld [tilespmem:$0x561]  }
0xc4: {  	v27 =	vld [tilespmem:$0x7F0]  }
0xc5: {  	v28 =	vld [tilespmem:$0x7F1]  }
0xc6: {  	v29 =	vld [tilespmem:$0x570]  }
0xc7: {  	v30 =	vld [tilespmem:$0x571]  }
0xc8: {  	v31 =	vld [tilespmem:$0x800]  }
0xc9: {  	v32 =	vld [tilespmem:$0x801]  }
0xca: {  	v33 =	vld [tilespmem:$0x580]  }
0xcb: {  	v34 =	vld [tilespmem:$0x581]  }
0xcc: {  	v35 =	vld [tilespmem:$0x810]  }
0xcd: {  	v36 =	vld [tilespmem:$0x811]  }
0xce: {  	v37 =	vld [tilespmem:$0x590]  }
0xcf: {  	v38 =	vld [tilespmem:$0x591]  }
0xd0: {  	v39 =	vld [tilespmem:$0x820]  }
0xd1: {  	v40 =	vld [tilespmem:$0x821]  }
0xd2: {  	v41 =	vld [tilespmem:$0x5A0]  }
0xd3: {  	v42 =	vld [tilespmem:$0x5A1]  }
0xd4: {  	v43 =	vld [tilespmem:$0x830]  }
0xd5: {  	v44 =	vld [tilespmem:$0x831]  }
0xd6: {  	v45 =	vld [tilespmem:$0x5B0]  }
0xd7: {  	v46 =	vld [tilespmem:$0x5B1]  }
0xd8: {  	v47 =	vld [tilespmem:$0x840]  }
0xd9: {  	v48 =	vld [tilespmem:$0x841]  }
0xda: {  	v49 =	vld [tilespmem:$0x5C0]  }
0xdb: {  	v50 =	vld [tilespmem:$0x5C1]  }
0xdc: {  	v51 =	vld [tilespmem:$0x850]  }
0xdd: {  	v52 =	vld [tilespmem:$0x851];
	v1 =	vmul.f32 v3, v1;
	v2 =	vmul.f32 v4, v2  }
0xde: {  	v53 =	vld [tilespmem:$0x5D0];
	v54 =	vmul.f32 v7, v5;
	v55 =	vmul.f32 v56, v6  }
0xdf: {  	v3 =	vld [tilespmem:$0x5D1];
	v59 =	vmul.f32 v60, v59;
	v60 =	vmul.f32 v61, v14  }
0xe0: {  	v56 =	vld [tilespmem:$0x860];
	v21 =	vmul.f32 v23, v21;
	v23 =	vmul.f32 v24, v22  }
0xe1: {  	v61 =	vld [tilespmem:$0x5E0];
	v1 =	vsub.f32 v2, v1;
	v2 =	vmul.f32 v57, v9;
	v57 =	vmul.f32 v58, v10  }
0xe2: {  	v24 =	vld [tilespmem:$0x870];
	v29 =	vmul.f32 v31, v29;
	v31 =	vmul.f32 v32, v30;
	v4 =	vsub.f32 v55, v54  }
0xe3: {  	v32 =	vld [tilespmem:$0x5F0];
	[tilespmem:$0xA00] =	vst v1;
	v1 =	vsub.f32 v57, v2;
	v2 =	vmul.f32 v62, v17;
	v62 =	vmul.f32 v63, v18  }
0xe4: {  	v37 =	vmul.f32 v39, v37;
	v39 =	vmul.f32 v40, v38;
	v40 =	vld [tilespmem:$0x880];
	v20 =	vsub.f32 v60, v59;
	[tilespmem:$0xA10] =	vst v4  }
0xe5: {  	v26 =	vmul.f32 v28, v26;
	v58 =	vld [tilespmem:$0x861];
	[tilespmem:$0xA20] =	vst v1;
	v1 =	vsub.f32 v62, v2;
	v2 =	vmul.f32 v27, v25  }
0xe6: {  	v28 =	vsub.f32 v23, v21;
	v63 =	vld [tilespmem:$0x5E1];
	[tilespmem:$0xA30] =	vst v20  }
0xe7: {  	v34 =	vmul.f32 v36, v34;
	v27 =	vld [tilespmem:$0x871];
	[tilespmem:$0xA40] =	vst v1;
	v1 =	vsub.f32 v26, v2;
	v2 =	vmul.f32 v35, v33  }
0xe8: {  	v42 =	vmul.f32 v44, v42;
	v36 =	vsub.f32 v31, v29;
	[tilespmem:$0xA50] =	vst v28;
	v35 =	vld [tilespmem:$0x5F1]  }
0xe9: {  	v50 =	vmul.f32 v52, v50;
	[tilespmem:$0xA60] =	vst v1;
	v1 =	vsub.f32 v34, v2;
	v2 =	vmul.f32 v43, v41;
	v43 =	vld [tilespmem:$0x881]  }
0xea: {  	v44 =	vsub.f32 v39, v37;
	[tilespmem:$0xA70] =	vst v36;
	v52 =	vmul.f32 v56, v53;
	v3 =	vmul.f32 v58, v3  }
0xeb: {  	[tilespmem:$0xA80] =	vst v1;
	v1 =	vsub.f32 v42, v2;
	v2 =	vmul.f32 v51, v49  }
0xec: {  	v47 =	vmul.f32 v47, v45;
	v48 =	vmul.f32 v48, v46;
	[tilespmem:$0xA90] =	vst v44;
	v3 =	vsub.f32 v3, v52  }
0xed: {  	v53 =	vmul.f32 v27, v63;
	[tilespmem:$0xAA0] =	vst v1;
	v1 =	vsub.f32 v50, v2;
	v2 =	vmul.f32 v24, v61  }
0xee: {  	v54 =	vmul.f32 v40, v32;
	[tilespmem:$0xAD0] =	vst v3;
	v51 =	vsub.f32 v48, v47;
	v55 =	vmul.f32 v43, v35  }
0xef: {  	[tilespmem:$0xAC0] =	vst v1;
	v1 =	vsub.f32 v53, v2  }
0xf0: {  	[tilespmem:$0xAB0] =	vst v51;
	v2 =	vsub.f32 v55, v54  }
0xf1: {  	[tilespmem:$0xAE0] =	vst v1  }
0xf2: {  	[tilespmem:$0xAF0] =	vst v2  }
0xf3: {  	[hbm4b:s6+s2] =	stream.linear.scatter [tilespmem:s14], [sflag:$0x2], $0x100, $0x38;
	[tilespmem:$0xB00] =	vst v63  }
0xf4: {  	_ =	swait.ge [sflag:s9], $0x100  }
0xf5: {  	[sflag:s9] =	ssyncset.done $0x0  }
0xf6: {  	[sflag:s9] =	ssyncadd.s32 $0xFFFFFF00  }
0xf7: {  	v1 =	vld [tilespmem:$0x500]  }
0xf8: {  	v2 =	vld [tilespmem:$0x501]  }
0xf9: {  	v3 =	vld [tilespmem:$0x8A0]  }
0xfa: {  	v4 =	vld [tilespmem:$0x8A1]  }
0xfb: {  	v5 =	vld [tilespmem:$0x510]  }
0xfc: {  	v6 =	vld [tilespmem:$0x511]  }
0xfd: {  	v56 =	vld [tilespmem:$0x8B0]  }
0xfe: {  	v57 =	vld [tilespmem:$0x8B1]  }
0xff: {  	v9 =	vld [tilespmem:$0x520]  }
0x100: {  	v10 =	vld [tilespmem:$0x521]  }
0x101: {  	v11 =	vld [tilespmem:$0x8C0]  }
0x102: {  	v58 =	vld [tilespmem:$0x8C1]  }
0x103: {  	v59 =	vld [tilespmem:$0x530]  }
0x104: {  	v14 =	vld [tilespmem:$0x531]  }
0x105: {  	v60 =	vld [tilespmem:$0x8D0]  }
0x106: {  	v61 =	vld [tilespmem:$0x8D1]  }
0x107: {  	v17 =	vld [tilespmem:$0x540]  }
0x108: {  	v18 =	vld [tilespmem:$0x541]  }
0x109: {  	v62 =	vld [tilespmem:$0x8E0]  }
0x10a: {  	v63 =	vld [tilespmem:$0x8E1]  }
0x10b: {  	v21 =	vld [tilespmem:$0x550]  }
0x10c: {  	v22 =	vld [tilespmem:$0x551]  }
0x10d: {  	v23 =	vld [tilespmem:$0x8F0]  }
0x10e: {  	v24 =	vld [tilespmem:$0x8F1]  }
0x10f: {  	v25 =	vld [tilespmem:$0x560]  }
0x110: {  	v26 =	vld [tilespmem:$0x561]  }
0x111: {  	v27 =	vld [tilespmem:$0x900]  }
0x112: {  	v28 =	vld [tilespmem:$0x901]  }
0x113: {  	v29 =	vld [tilespmem:$0x570]  }
0x114: {  	v30 =	vld [tilespmem:$0x571]  }
0x115: {  	v31 =	vld [tilespmem:$0x910]  }
0x116: {  	v32 =	vld [tilespmem:$0x911]  }
0x117: {  	v33 =	vld [tilespmem:$0x580]  }
0x118: {  	v34 =	vld [tilespmem:$0x581]  }
0x119: {  	v35 =	vld [tilespmem:$0x920]  }
0x11a: {  	v36 =	vld [tilespmem:$0x921]  }
0x11b: {  	v37 =	vld [tilespmem:$0x590]  }
0x11c: {  	v38 =	vld [tilespmem:$0x591]  }
0x11d: {  	v39 =	vld [tilespmem:$0x930]  }
0x11e: {  	v40 =	vld [tilespmem:$0x931]  }
0x11f: {  	v41 =	vld [tilespmem:$0x5A0]  }
0x120: {  	v42 =	vld [tilespmem:$0x5A1]  }
0x121: {  	v43 =	vld [tilespmem:$0x940]  }
0x122: {  	v44 =	vld [tilespmem:$0x941]  }
0x123: {  	v45 =	vld [tilespmem:$0x5B0]  }
0x124: {  	v46 =	vld [tilespmem:$0x5B1]  }
0x125: {  	v47 =	vld [tilespmem:$0x950]  }
0x126: {  	v48 =	vld [tilespmem:$0x951]  }
0x127: {  	v49 =	vld [tilespmem:$0x5C0]  }
0x128: {  	v50 =	vld [tilespmem:$0x5C1]  }
0x129: {  	v51 =	vld [tilespmem:$0x960]  }
0x12a: {  	v52 =	vld [tilespmem:$0x961]  }
0x12b: {  	v53 =	vld [tilespmem:$0x5D0];
	v1 =	vmul.f32 v3, v1;
	v2 =	vmul.f32 v4, v2  }
0x12c: {  	v8 =	vld [tilespmem:$0x971];
	v56 =	vmul.f32 v56, v5;
	v57 =	vmul.f32 v57, v6  }
0x12d: {  	v54 =	vld [tilespmem:$0x991];
	v58 =	vmul.f32 v58, v10;
	v59 =	vmul.f32 v60, v59  }
0x12e: {  	v3 =	vld [tilespmem:$0x5D1];
	v60 =	vmul.f32 v61, v14;
	v1 =	vsub.f32 v2, v1;
	v2 =	vmul.f32 v11, v9  }
0x12f: {  	v6 =	vld [tilespmem:$0x970];
	v21 =	vmul.f32 v23, v21;
	v23 =	vmul.f32 v24, v22;
	v4 =	vsub.f32 v57, v56  }
0x130: {  	v61 =	vld [tilespmem:$0x5E0];
	[tilespmem:$0xA00] =	vst v1;
	v1 =	vsub.f32 v58, v2;
	v2 =	vmul.f32 v62, v17;
	v62 =	vmul.f32 v63, v18  }
0x131: {  	v24 =	vld [tilespmem:$0x980];
	v26 =	vmul.f32 v28, v26;
	v29 =	vmul.f32 v31, v29;
	v20 =	vsub.f32 v60, v59;
	[tilespmem:$0xA10] =	vst v4  }
0x132: {  	v31 =	vmul.f32 v32, v30;
	v32 =	vld [tilespmem:$0x5F0];
	[tilespmem:$0xA20] =	vst v1;
	v1 =	vsub.f32 v62, v2;
	v2 =	vmul.f32 v27, v25  }
0x133: {  	v37 =	vmul.f32 v39, v37;
	v39 =	vmul.f32 v40, v38;
	v40 =	vld [tilespmem:$0x990];
	v28 =	vsub.f32 v23, v21;
	[tilespmem:$0xA30] =	vst v20  }
0x134: {  	v34 =	vmul.f32 v36, v34;
	v63 =	vld [tilespmem:$0x5E1];
	[tilespmem:$0xA40] =	vst v1;
	v1 =	vsub.f32 v26, v2;
	v2 =	vmul.f32 v35, v33  }
0x135: {  	v36 =	vsub.f32 v31, v29;
	[tilespmem:$0xA50] =	vst v28;
	v27 =	vld [tilespmem:$0x981]  }
0x136: {  	v44 =	vmul.f32 v44, v42;
	v35 =	vld [tilespmem:$0x5F1];
	[tilespmem:$0xA60] =	vst v1;
	v1 =	vsub.f32 v34, v2;
	v2 =	vmul.f32 v43, v41  }
0x137: {  	v55 =	vsub.f32 v39, v37;
	v56 =	vmul.f32 v47, v45;
	v57 =	vmul.f32 v48, v46;
	[tilespmem:$0xA70] =	vst v36  }
0x138: {  	v58 =	vmul.f32 v52, v50;
	[tilespmem:$0xA80] =	vst v1;
	v1 =	vsub.f32 v44, v2;
	v2 =	vmul.f32 v51, v49  }
0x139: {  	[tilespmem:$0xA90] =	vst v55;
	v59 =	vsub.f32 v57, v56;
	v60 =	vmul.f32 v6, v53;
	v3 =	vmul.f32 v8, v3  }
0x13a: {  	[tilespmem:$0xAA0] =	vst v1;
	v1 =	vsub.f32 v58, v2;
	v2 =	vmul.f32 v24, v61;
	v61 =	vmul.f32 v27, v63  }
0x13b: {  	[tilespmem:$0xAB0] =	vst v59;
	v62 =	vmul.f32 v40, v32;
	v3 =	vsub.f32 v3, v60;
	v63 =	vmul.f32 v54, v35  }
0x13c: {  	[tilespmem:$0xAC0] =	vst v1;
	v1 =	vsub.f32 v61, v2  }
0x13d: {  	[tilespmem:$0xAD0] =	vst v3;
	v2 =	vsub.f32 v63, v62  }
0x13e: {  	p0 =	sne.s32 s8, $0x1;
	[tilespmem:$0xAE0] =	vst v1  }
.Ltmp0:
0x13f: {  	[tilespmem:$0xAF0] =	vst v2;
	(pc) =	sbr.rel @p0 .LBB2_1-.Ltmp0, $4  }
0x140: {  	[hbm4b:s7+s2] =	stream.linear.scatter [tilespmem:s14], [sflag:$0x2], $0x100, $0x38;
	[tilespmem:$0xB00] =	vst v63  }
0x141: {  	_ =	swait.ge [sflag:s9], $0x100  }
0x142: {  	[sflag:s9] =	ssyncset.done $0x0  }
0x143: {  	s8 =	sadd.s32 $0xFFFFFFFF, s8;
	[sflag:s9] =	ssyncadd.s32 $0xFFFFFF00  }
0x144: {  	_ =	sfence.sel $0x180000  }
0x145: {  	[bflag:$0x0] =	sbarrier.arrive $0xFFFF  }
0x146: {  	p0 =	sne.s32 s1, $0x0;
	_ =	strace $0x90000047  }
0x147: {  	s0 =	sadd.s32 @!p0 $0x100000, s0;
	[bflag:$0x2] =	sbarrier.arrive $0xFFFF  }
0x148: {  	[sflag:s0] =	ssyncadd.tile.s32 @!p0 $0x1;
	_ =	shalt  }
.Lfunc_end2:
_tile_overlayer_lowered:
.L_overlay_start_2:
0x149: {  	(tag) =	ssettag $0x2  }
0x14a: {  	s0 =	rddreg [dreg:$0x0];
	s2 =	stileid.u32  }
0x14b: {  	s1 =	rddreg [dreg:$0x1];
	p0 =	sne.s32 s2, $0x0  }
0x14c: {  	s3 =	rddreg [dreg:$0x2];
	[bflag:$0x3] =	sbarrier.arrive $0xFFFF;
	s2 =	simm.s32 @!p0 $0x1C02  }
0x14d: {  	[timem:s3], [sflag:s2] =	dma.local @!p0 [hbm:s0], s1  }
0x14e: {  	s0 =	simm.s32 @!p0 $0x2  }
0x14f: {  	_ =	swait.ge @!p0 [sflag:s0], s1  }
0x150: {  	s1 =	ssub.s32 @!p0 $0x0, s1;
	[sflag:s0] =	ssyncset.done @!p0 $0x0  }
0x151: {  	[sflag:s0] =	ssyncadd.s32 @!p0 s1  }
0x152: {  	[bflag:$0x3] =	sbarrier.arrive $0xFFFF  }
0x153: {  	_ =	shalt  }

</sc_bundles>
